<compile_context>
chip_gen: v7x
topology: tpu7x:2x2x1
jax: 0.10.2.dev20260603
libtpu: 0.0.44.dev20260713+nightly
codegen_flags: <defaults>
</compile_context>

<pallas_src>
import functools

import jax
import jax.numpy as jnp
from jax import lax
from jax.experimental import pallas as pl
from jax.experimental.pallas import tpu as pltpu
from jax.experimental.pallas import tpu_sc as plsc

NUM_HIDDENS = 128
MAX_LEN = 8192
BATCH = 16384

NC = 2
NS = 16
NW = NC * NS
B_PER_W = BATCH // NW
CHUNK = 128
NCHUNK = B_PER_W // CHUNK


def _make_sc_gather():
    mesh = plsc.VectorSubcoreMesh(core_axis_name="c", subcore_axis_name="s")

    @functools.partial(
        pl.kernel,
        mesh=mesh,
        out_type=jax.ShapeDtypeStruct((NW, NCHUNK, CHUNK, NUM_HIDDENS), jnp.float32),
        scratch_types=[
            pltpu.VMEM((NCHUNK, CHUNK), jnp.int32),
            pltpu.VMEM((NCHUNK, CHUNK, NUM_HIDDENS), jnp.float32),
            pltpu.SemaphoreType.DMA,
            pltpu.SemaphoreType.DMA,
        ],
    )
    def sc_gather(ts_hbm, table_hbm, out_hbm, idx_v, rows_v, gsem, ssem):
        wid = lax.axis_index("s") * NC + lax.axis_index("c")
        pltpu.sync_copy(ts_hbm.at[wid], idx_v)
        for j in range(NCHUNK):
            for i in range(CHUNK // 16):
                sl = pl.ds(i * 16, 16)
                idx_v[j, sl] = (idx_v[j, sl] - 1) & (MAX_LEN - 1)
        copies = [
            pltpu.async_copy(table_hbm.at[idx_v.at[j]], rows_v.at[j], gsem)
            for j in range(NCHUNK)
        ]
        stores = []
        for j in range(NCHUNK):
            copies[j].wait()
            stores.append(pltpu.async_copy(rows_v.at[j], out_hbm.at[wid, j], ssem))
        for s in stores:
            s.wait()

    return sc_gather


_sc_gather = _make_sc_gather()


def kernel(timestep, P):
    table = P.reshape(MAX_LEN, NUM_HIDDENS)
    ts = timestep.reshape(NW, NCHUNK, CHUNK)
    out = _sc_gather(ts, table)
    return out.reshape(1, BATCH, NUM_HIDDENS)

# --- scband reference (transcript-rebuilt; emitter-appended) ---
"""Pipeline reference for scband-time-step-encoding-9371618640313 (READ-ONLY COPY).

The authoritative reference and input builder live on the scoring server;
editing this copy changes nothing except your own understanding.
"""

import jax, jax.numpy as jnp
import numpy as np

NUM_HIDDENS = 128
MAX_LEN = 8192
BATCH = 16384


def _build_P():
    # Faithful port of TimeStepEncoding.__init__ sinusoidal table
    P = np.zeros((1, MAX_LEN, NUM_HIDDENS), dtype=np.float32)
    X = np.arange(MAX_LEN, dtype=np.float32).reshape(-1, 1) / np.power(
        10000.0, np.arange(0, NUM_HIDDENS, 2, dtype=np.float32) / NUM_HIDDENS
    )
    P[:, :, 0::2] = np.sin(X)
    P[:, :, 1::2] = np.cos(X)
    return jnp.asarray(P)


def setup_inputs(seed: int = 0) -> dict:
    key = jax.random.key(seed)
    # randint fill: values in [0, MAX_LEN)
    timestep = jax.random.randint(key, (BATCH,), 0, MAX_LEN, dtype=jnp.int32)
    P = _build_P()
    return {"timestep": timestep, "P": P}


def reference(timestep, P):
    # forward (frozen=False branch): embedding = P[:, timestep - 1, :]
    # torch wraps negative indices (timestep==0 -> index -1 -> last row);
    # replicate that wrapping explicitly for jax.
    idx = (timestep - 1) % P.shape[1]
    embedding = P[:, idx, :]  # gather -> shape (1, BATCH, NUM_HIDDENS)
    return embedding

if __name__ == "__main__":
    import jax
    _d = setup_inputs()
    print(jax.jit(kernel)(*tuple(_d.values())))

</pallas_src>

<mosaic_0001>
#map = affine_map<(d0, d1) -> (0, 0, 0)>
#map1 = affine_map<(d0, d1) -> (0, 0)>
#map2 = affine_map<(d0, d1) -> (0, 0, 0, 0)>
module attributes {stable_mosaic.version = 14 : i64} {
  func.func @sc_gather(%arg0: i32, %arg1: i32, %arg2: memref<32x4x128xi32, #tpu.memory_space<hbm>>, %arg3: memref<8192x128xf32, #tpu.memory_space<hbm>>, %arg4: memref<32x4x128x128xf32, #tpu.memory_space<hbm>>, %arg5: memref<4x128xi32, #tpu.memory_space<vmem>>, %arg6: memref<4x128x128xf32, #tpu.memory_space<vmem>>, %arg7: memref<!tpu.dma_semaphore, #tpu.memory_space<semaphore_mem>>, %arg8: memref<!tpu.dma_semaphore, #tpu.memory_space<semaphore_mem>>) attributes {dimension_semantics = [#tpu.dimension_semantics<core_parallel>, #tpu.dimension_semantics<subcore_parallel>], iteration_bounds = array<i64: 2, 16>, scalar_prefetch = 0 : i64, scratch_operands = 4 : i64, tpu.core_type = #tpu.core_type<sc_vector_subcore>, window_params = [{transform_indices = #map}, {transform_indices = #map1}, {transform_indices = #map2}]} {
    %mul3A = arith.constant 2 : i32
    %mul3A_0 = arith.muli %arg1, %mul3A : i32
    %add3A = arith.addi %mul3A_0, %arg0 : i32
    "tpu.region"() ({
      %run_scoped3A = tpu.sem_alloc : memref<!tpu.dma_semaphore, #tpu.memory_space<semaphore_mem>>
      %dma_start3A_779 = arith.constant 0 : i32
      %dma_start3A_780 = arith.constant 0 : i32
      %dma_start3A_781 = tpu.memref_slice %arg2[%add3A, %dma_start3A_779, %dma_start3A_780] : memref<32x4x128xi32, #tpu.memory_space<hbm>> -> memref<1x4x128xi32, #tpu.memory_space<hbm>>
      %dma_start3A_782 = tpu.memref_squeeze %dma_start3A_781 : memref<1x4x128xi32, #tpu.memory_space<hbm>> -> memref<4x128xi32, #tpu.memory_space<hbm>>
      %dma_start3A_783 = arith.constant 0 : i32
      %dma_start3A_784 = arith.constant 0 : i32
      %dma_start3A_785 = tpu.memref_slice %arg2[%add3A, %dma_start3A_783, %dma_start3A_784] : memref<32x4x128xi32, #tpu.memory_space<hbm>> -> memref<1x4x128xi32, #tpu.memory_space<hbm>>
      %dma_start3A_786 = tpu.memref_squeeze %dma_start3A_785 : memref<1x4x128xi32, #tpu.memory_space<hbm>> -> memref<4x128xi32, #tpu.memory_space<hbm>>
      tpu.enqueue_dma source(%dma_start3A_786 : memref<4x128xi32, #tpu.memory_space<hbm>>) target(%arg5 : memref<4x128xi32, #tpu.memory_space<vmem>>) target_semaphore(%run_scoped3A : memref<!tpu.dma_semaphore, #tpu.memory_space<semaphore_mem>>)
      %dma_wait3A_787 = arith.constant 0 : i32
      %dma_wait3A_788 = arith.constant 0 : i32
      %dma_wait3A_789 = tpu.memref_slice %arg2[%add3A, %dma_wait3A_787, %dma_wait3A_788] : memref<32x4x128xi32, #tpu.memory_space<hbm>> -> memref<1x4x128xi32, #tpu.memory_space<hbm>>
      %dma_wait3A_790 = tpu.memref_squeeze %dma_wait3A_789 : memref<1x4x128xi32, #tpu.memory_space<hbm>> -> memref<4x128xi32, #tpu.memory_space<hbm>>
      %dma_wait3A_791 = arith.constant 0 : i32
      %dma_wait3A_792 = arith.constant 0 : i32
      %dma_wait3A_793 = tpu.memref_slice %arg2[%add3A, %dma_wait3A_791, %dma_wait3A_792] : memref<32x4x128xi32, #tpu.memory_space<hbm>> -> memref<1x4x128xi32, #tpu.memory_space<hbm>>
      %dma_wait3A_794 = tpu.memref_squeeze %dma_wait3A_793 : memref<1x4x128xi32, #tpu.memory_space<hbm>> -> memref<4x128xi32, #tpu.memory_space<hbm>>
      tpu.wait_dma2 semaphore(%run_scoped3A : memref<!tpu.dma_semaphore, #tpu.memory_space<semaphore_mem>>) src(%dma_wait3A_794 : memref<4x128xi32, #tpu.memory_space<hbm>>) dst(%arg5 : memref<4x128xi32, #tpu.memory_space<vmem>>)
      tpu.yield
    }) : () -> ()
    %get3A = arith.constant 0 : i32
    %get3A_1 = arith.index_cast %get3A : i32 to index
    %get3A_2 = arith.constant 0 : index
    %get3A_3 = tpu.vector_load %arg5[%get3A_1, %get3A_2] {strides = array<i32>} : memref<4x128xi32, #tpu.memory_space<vmem>>, vector<1x16xi32>,
    %get3A_4 = vector.shape_cast %get3A_3 : vector<1x16xi32> to vector<16xi32>
    %sub3A = arith.constant 1 : i32
    %sub3A_5 = vector.broadcast %sub3A : i32 to vector<16xi32>
    %sub3A_6 = arith.subi %get3A_4, %sub3A_5 : vector<16xi32>
    %and3A = arith.constant 8191 : i32
    %and3A_7 = vector.broadcast %and3A : i32 to vector<16xi32>
    %and3A_8 = arith.andi %sub3A_6, %and3A_7 : vector<16xi32>
    %swap3A = arith.constant 0 : i32
    %swap3A_9 = arith.index_cast %swap3A : i32 to index
    %swap3A_10 = arith.constant 0 : index
    %swap3A_11 = tpu.vector_load %arg5[%swap3A_9, %swap3A_10] {strides = array<i32>} : memref<4x128xi32, #tpu.memory_space<vmem>>, vector<1x16xi32>,
    %swap3A_12 = vector.shape_cast %swap3A_11 : vector<1x16xi32> to vector<16xi32>
    %swap3A_13 = vector.shape_cast %and3A_8 : vector<16xi32> to vector<1x16xi32>
    tpu.vector_store %arg5[%swap3A_9, %swap3A_10], %swap3A_13 {strides = array<i32>} : memref<4x128xi32, #tpu.memory_space<vmem>>, vector<1x16xi32>,
    %get3A_14 = arith.constant 0 : i32
    %get3A_15 = arith.index_cast %get3A_14 : i32 to index
    %get3A_16 = arith.constant 16 : index
    %get3A_17 = tpu.vector_load %arg5[%get3A_15, %get3A_16] {strides = array<i32>} : memref<4x128xi32, #tpu.memory_space<vmem>>, vector<1x16xi32>,
    %get3A_18 = vector.shape_cast %get3A_17 : vector<1x16xi32> to vector<16xi32>
    %sub3A_19 = arith.constant 1 : i32
    %sub3A_20 = vector.broadcast %sub3A_19 : i32 to vector<16xi32>
    %sub3A_21 = arith.subi %get3A_18, %sub3A_20 : vector<16xi32>
    %and3A_22 = arith.constant 8191 : i32
    %and3A_23 = vector.broadcast %and3A_22 : i32 to vector<16xi32>
    %and3A_24 = arith.andi %sub3A_21, %and3A_23 : vector<16xi32>
    %swap3A_25 = arith.constant 0 : i32
    %swap3A_26 = arith.index_cast %swap3A_25 : i32 to index
    %swap3A_27 = arith.constant 16 : index
    %swap3A_28 = tpu.vector_load %arg5[%swap3A_26, %swap3A_27] {strides = array<i32>} : memref<4x128xi32, #tpu.memory_space<vmem>>, vector<1x16xi32>,
    %swap3A_29 = vector.shape_cast %swap3A_28 : vector<1x16xi32> to vector<16xi32>
    %swap3A_30 = vector.shape_cast %and3A_24 : vector<16xi32> to vector<1x16xi32>
    tpu.vector_store %arg5[%swap3A_26, %swap3A_27], %swap3A_30 {strides = array<i32>} : memref<4x128xi32, #tpu.memory_space<vmem>>, vector<1x16xi32>,
    %get3A_31 = arith.constant 0 : i32
    %get3A_32 = arith.index_cast %get3A_31 : i32 to index
    %get3A_33 = arith.constant 32 : index
    %get3A_34 = tpu.vector_load %arg5[%get3A_32, %get3A_33] {strides = array<i32>} : memref<4x128xi32, #tpu.memory_space<vmem>>, vector<1x16xi32>,
    %get3A_35 = vector.shape_cast %get3A_34 : vector<1x16xi32> to vector<16xi32>
    %sub3A_36 = arith.constant 1 : i32
    %sub3A_37 = vector.broadcast %sub3A_36 : i32 to vector<16xi32>
    %sub3A_38 = arith.subi %get3A_35, %sub3A_37 : vector<16xi32>
    %and3A_39 = arith.constant 8191 : i32
    %and3A_40 = vector.broadcast %and3A_39 : i32 to vector<16xi32>
    %and3A_41 = arith.andi %sub3A_38, %and3A_40 : vector<16xi32>
    %swap3A_42 = arith.constant 0 : i32
    %swap3A_43 = arith.index_cast %swap3A_42 : i32 to index
    %swap3A_44 = arith.constant 32 : index
    %swap3A_45 = tpu.vector_load %arg5[%swap3A_43, %swap3A_44] {strides = array<i32>} : memref<4x128xi32, #tpu.memory_space<vmem>>, vector<1x16xi32>,
    %swap3A_46 = vector.shape_cast %swap3A_45 : vector<1x16xi32> to vector<16xi32>
    %swap3A_47 = vector.shape_cast %and3A_41 : vector<16xi32> to vector<1x16xi32>
    tpu.vector_store %arg5[%swap3A_43, %swap3A_44], %swap3A_47 {strides = array<i32>} : memref<4x128xi32, #tpu.memory_space<vmem>>, vector<1x16xi32>,
    %get3A_48 = arith.constant 0 : i32
    %get3A_49 = arith.index_cast %get3A_48 : i32 to index
    %get3A_50 = arith.constant 48 : index
    %get3A_51 = tpu.vector_load %arg5[%get3A_49, %get3A_50] {strides = array<i32>} : memref<4x128xi32, #tpu.memory_space<vmem>>, vector<1x16xi32>,
    %get3A_52 = vector.shape_cast %get3A_51 : vector<1x16xi32> to vector<16xi32>
    %sub3A_53 = arith.constant 1 : i32
    %sub3A_54 = vector.broadcast %sub3A_53 : i32 to vector<16xi32>
    %sub3A_55 = arith.subi %get3A_52, %sub3A_54 : vector<16xi32>
    %and3A_56 = arith.constant 8191 : i32
    %and3A_57 = vector.broadcast %and3A_56 : i32 to vector<16xi32>
    %and3A_58 = arith.andi %sub3A_55, %and3A_57 : vector<16xi32>
    %swap3A_59 = arith.constant 0 : i32
    %swap3A_60 = arith.index_cast %swap3A_59 : i32 to index
    %swap3A_61 = arith.constant 48 : index
    %swap3A_62 = tpu.vector_load %arg5[%swap3A_60, %swap3A_61] {strides = array<i32>} : memref<4x128xi32, #tpu.memory_space<vmem>>, vector<1x16xi32>,
    %swap3A_63 = vector.shape_cast %swap3A_62 : vector<1x16xi32> to vector<16xi32>
    %swap3A_64 = vector.shape_cast %and3A_58 : vector<16xi32> to vector<1x16xi32>
    tpu.vector_store %arg5[%swap3A_60, %swap3A_61], %swap3A_64 {strides = array<i32>} : memref<4x128xi32, #tpu.memory_space<vmem>>, vector<1x16xi32>,
    %get3A_65 = arith.constant 0 : i32
    %get3A_66 = arith.index_cast %get3A_65 : i32 to index
    %get3A_67 = arith.constant 64 : index
    %get3A_68 = tpu.vector_load %arg5[%get3A_66, %get3A_67] {strides = array<i32>} : memref<4x128xi32, #tpu.memory_space<vmem>>, vector<1x16xi32>,
    %get3A_69 = vector.shape_cast %get3A_68 : vector<1x16xi32> to vector<16xi32>
    %sub3A_70 = arith.constant 1 : i32
    %sub3A_71 = vector.broadcast %sub3A_70 : i32 to vector<16xi32>
    %sub3A_72 = arith.subi %get3A_69, %sub3A_71 : vector<16xi32>
    %and3A_73 = arith.constant 8191 : i32
    %and3A_74 = vector.broadcast %and3A_73 : i32 to vector<16xi32>
    %and3A_75 = arith.andi %sub3A_72, %and3A_74 : vector<16xi32>
    %swap3A_76 = arith.constant 0 : i32
    %swap3A_77 = arith.index_cast %swap3A_76 : i32 to index
    %swap3A_78 = arith.constant 64 : index
    %swap3A_79 = tpu.vector_load %arg5[%swap3A_77, %swap3A_78] {strides = array<i32>} : memref<4x128xi32, #tpu.memory_space<vmem>>, vector<1x16xi32>,
    %swap3A_80 = vector.shape_cast %swap3A_79 : vector<1x16xi32> to vector<16xi32>
    %swap3A_81 = vector.shape_cast %and3A_75 : vector<16xi32> to vector<1x16xi32>
    tpu.vector_store %arg5[%swap3A_77, %swap3A_78], %swap3A_81 {strides = array<i32>} : memref<4x128xi32, #tpu.memory_space<vmem>>, vector<1x16xi32>,
    %get3A_82 = arith.constant 0 : i32
    %get3A_83 = arith.index_cast %get3A_82 : i32 to index
    %get3A_84 = arith.constant 80 : index
    %get3A_85 = tpu.vector_load %arg5[%get3A_83, %get3A_84] {strides = array<i32>} : memref<4x128xi32, #tpu.memory_space<vmem>>, vector<1x16xi32>,
    %get3A_86 = vector.shape_cast %get3A_85 : vector<1x16xi32> to vector<16xi32>
    %sub3A_87 = arith.constant 1 : i32
    %sub3A_88 = vector.broadcast %sub3A_87 : i32 to vector<16xi32>
    %sub3A_89 = arith.subi %get3A_86, %sub3A_88 : vector<16xi32>
    %and3A_90 = arith.constant 8191 : i32
    %and3A_91 = vector.broadcast %and3A_90 : i32 to vector<16xi32>
    %and3A_92 = arith.andi %sub3A_89, %and3A_91 : vector<16xi32>
    %swap3A_93 = arith.constant 0 : i32
    %swap3A_94 = arith.index_cast %swap3A_93 : i32 to index
    %swap3A_95 = arith.constant 80 : index
    %swap3A_96 = tpu.vector_load %arg5[%swap3A_94, %swap3A_95] {strides = array<i32>} : memref<4x128xi32, #tpu.memory_space<vmem>>, vector<1x16xi32>,
    %swap3A_97 = vector.shape_cast %swap3A_96 : vector<1x16xi32> to vector<16xi32>
    %swap3A_98 = vector.shape_cast %and3A_92 : vector<16xi32> to vector<1x16xi32>
    tpu.vector_store %arg5[%swap3A_94, %swap3A_95], %swap3A_98 {strides = array<i32>} : memref<4x128xi32, #tpu.memory_space<vmem>>, vector<1x16xi32>,
    %get3A_99 = arith.constant 0 : i32
    %get3A_100 = arith.index_cast %get3A_99 : i32 to index
    %get3A_101 = arith.constant 96 : index
    %get3A_102 = tpu.vector_load %arg5[%get3A_100, %get3A_101] {strides = array<i32>} : memref<4x128xi32, #tpu.memory_space<vmem>>, vector<1x16xi32>,
    %get3A_103 = vector.shape_cast %get3A_102 : vector<1x16xi32> to vector<16xi32>
    %sub3A_104 = arith.constant 1 : i32
    %sub3A_105 = vector.broadcast %sub3A_104 : i32 to vector<16xi32>
    %sub3A_106 = arith.subi %get3A_103, %sub3A_105 : vector<16xi32>
    %and3A_107 = arith.constant 8191 : i32
    %and3A_108 = vector.broadcast %and3A_107 : i32 to vector<16xi32>
    %and3A_109 = arith.andi %sub3A_106, %and3A_108 : vector<16xi32>
    %swap3A_110 = arith.constant 0 : i32
    %swap3A_111 = arith.index_cast %swap3A_110 : i32 to index
    %swap3A_112 = arith.constant 96 : index
    %swap3A_113 = tpu.vector_load %arg5[%swap3A_111, %swap3A_112] {strides = array<i32>} : memref<4x128xi32, #tpu.memory_space<vmem>>, vector<1x16xi32>,
    %swap3A_114 = vector.shape_cast %swap3A_113 : vector<1x16xi32> to vector<16xi32>
    %swap3A_115 = vector.shape_cast %and3A_109 : vector<16xi32> to vector<1x16xi32>
    tpu.vector_store %arg5[%swap3A_111, %swap3A_112], %swap3A_115 {strides = array<i32>} : memref<4x128xi32, #tpu.memory_space<vmem>>, vector<1x16xi32>,
    %get3A_116 = arith.constant 0 : i32
    %get3A_117 = arith.index_cast %get3A_116 : i32 to index
    %get3A_118 = arith.constant 112 : index
    %get3A_119 = tpu.vector_load %arg5[%get3A_117, %get3A_118] {strides = array<i32>} : memref<4x128xi32, #tpu.memory_space<vmem>>, vector<1x16xi32>,
    %get3A_120 = vector.shape_cast %get3A_119 : vector<1x16xi32> to vector<16xi32>
    %sub3A_121 = arith.constant 1 : i32
    %sub3A_122 = vector.broadcast %sub3A_121 : i32 to vector<16xi32>
    %sub3A_123 = arith.subi %get3A_120, %sub3A_122 : vector<16xi32>
    %and3A_124 = arith.constant 8191 : i32
    %and3A_125 = vector.broadcast %and3A_124 : i32 to vector<16xi32>
    %and3A_126 = arith.andi %sub3A_123, %and3A_125 : vector<16xi32>
    %swap3A_127 = arith.constant 0 : i32
    %swap3A_128 = arith.index_cast %swap3A_127 : i32 to index
    %swap3A_129 = arith.constant 112 : index
    %swap3A_130 = tpu.vector_load %arg5[%swap3A_128, %swap3A_129] {strides = array<i32>} : memref<4x128xi32, #tpu.memory_space<vmem>>, vector<1x16xi32>,
    %swap3A_131 = vector.shape_cast %swap3A_130 : vector<1x16xi32> to vector<16xi32>
    %swap3A_132 = vector.shape_cast %and3A_126 : vector<16xi32> to vector<1x16xi32>
    tpu.vector_store %arg5[%swap3A_128, %swap3A_129], %swap3A_132 {strides = array<i32>} : memref<4x128xi32, #tpu.memory_space<vmem>>, vector<1x16xi32>,
    %get3A_133 = arith.constant 1 : i32
    %get3A_134 = arith.index_cast %get3A_133 : i32 to index
    %get3A_135 = arith.constant 0 : index
    %get3A_136 = tpu.vector_load %arg5[%get3A_134, %get3A_135] {strides = array<i32>} : memref<4x128xi32, #tpu.memory_space<vmem>>, vector<1x16xi32>,
    %get3A_137 = vector.shape_cast %get3A_136 : vector<1x16xi32> to vector<16xi32>
    %sub3A_138 = arith.constant 1 : i32
    %sub3A_139 = vector.broadcast %sub3A_138 : i32 to vector<16xi32>
    %sub3A_140 = arith.subi %get3A_137, %sub3A_139 : vector<16xi32>
    %and3A_141 = arith.constant 8191 : i32
    %and3A_142 = vector.broadcast %and3A_141 : i32 to vector<16xi32>
    %and3A_143 = arith.andi %sub3A_140, %and3A_142 : vector<16xi32>
    %swap3A_144 = arith.constant 1 : i32
    %swap3A_145 = arith.index_cast %swap3A_144 : i32 to index
    %swap3A_146 = arith.constant 0 : index
    %swap3A_147 = tpu.vector_load %arg5[%swap3A_145, %swap3A_146] {strides = array<i32>} : memref<4x128xi32, #tpu.memory_space<vmem>>, vector<1x16xi32>,
    %swap3A_148 = vector.shape_cast %swap3A_147 : vector<1x16xi32> to vector<16xi32>
    %swap3A_149 = vector.shape_cast %and3A_143 : vector<16xi32> to vector<1x16xi32>
    tpu.vector_store %arg5[%swap3A_145, %swap3A_146], %swap3A_149 {strides = array<i32>} : memref<4x128xi32, #tpu.memory_space<vmem>>, vector<1x16xi32>,
    %get3A_150 = arith.constant 1 : i32
    %get3A_151 = arith.index_cast %get3A_150 : i32 to index
    %get3A_152 = arith.constant 16 : index
    %get3A_153 = tpu.vector_load %arg5[%get3A_151, %get3A_152] {strides = array<i32>} : memref<4x128xi32, #tpu.memory_space<vmem>>, vector<1x16xi32>,
    %get3A_154 = vector.shape_cast %get3A_153 : vector<1x16xi32> to vector<16xi32>
    %sub3A_155 = arith.constant 1 : i32
    %sub3A_156 = vector.broadcast %sub3A_155 : i32 to vector<16xi32>
    %sub3A_157 = arith.subi %get3A_154, %sub3A_156 : vector<16xi32>
    %and3A_158 = arith.constant 8191 : i32
    %and3A_159 = vector.broadcast %and3A_158 : i32 to vector<16xi32>
    %and3A_160 = arith.andi %sub3A_157, %and3A_159 : vector<16xi32>
    %swap3A_161 = arith.constant 1 : i32
    %swap3A_162 = arith.index_cast %swap3A_161 : i32 to index
    %swap3A_163 = arith.constant 16 : index
    %swap3A_164 = tpu.vector_load %arg5[%swap3A_162, %swap3A_163] {strides = array<i32>} : memref<4x128xi32, #tpu.memory_space<vmem>>, vector<1x16xi32>,
    %swap3A_165 = vector.shape_cast %swap3A_164 : vector<1x16xi32> to vector<16xi32>
    %swap3A_166 = vector.shape_cast %and3A_160 : vector<16xi32> to vector<1x16xi32>
    tpu.vector_store %arg5[%swap3A_162, %swap3A_163], %swap3A_166 {strides = array<i32>} : memref<4x128xi32, #tpu.memory_space<vmem>>, vector<1x16xi32>,
    %get3A_167 = arith.constant 1 : i32
    %get3A_168 = arith.index_cast %get3A_167 : i32 to index
    %get3A_169 = arith.constant 32 : index
    %get3A_170 = tpu.vector_load %arg5[%get3A_168, %get3A_169] {strides = array<i32>} : memref<4x128xi32, #tpu.memory_space<vmem>>, vector<1x16xi32>,
    %get3A_171 = vector.shape_cast %get3A_170 : vector<1x16xi32> to vector<16xi32>
    %sub3A_172 = arith.constant 1 : i32
    %sub3A_173 = vector.broadcast %sub3A_172 : i32 to vector<16xi32>
    %sub3A_174 = arith.subi %get3A_171, %sub3A_173 : vector<16xi32>
    %and3A_175 = arith.constant 8191 : i32
    %and3A_176 = vector.broadcast %and3A_175 : i32 to vector<16xi32>
    %and3A_177 = arith.andi %sub3A_174, %and3A_176 : vector<16xi32>
    %swap3A_178 = arith.constant 1 : i32
    %swap3A_179 = arith.index_cast %swap3A_178 : i32 to index
    %swap3A_180 = arith.constant 32 : index
    %swap3A_181 = tpu.vector_load %arg5[%swap3A_179, %swap3A_180] {strides = array<i32>} : memref<4x128xi32, #tpu.memory_space<vmem>>, vector<1x16xi32>,
    %swap3A_182 = vector.shape_cast %swap3A_181 : vector<1x16xi32> to vector<16xi32>
    %swap3A_183 = vector.shape_cast %and3A_177 : vector<16xi32> to vector<1x16xi32>
    tpu.vector_store %arg5[%swap3A_179, %swap3A_180], %swap3A_183 {strides = array<i32>} : memref<4x128xi32, #tpu.memory_space<vmem>>, vector<1x16xi32>,
    %get3A_184 = arith.constant 1 : i32
    %get3A_185 = arith.index_cast %get3A_184 : i32 to index
    %get3A_186 = arith.constant 48 : index
    %get3A_187 = tpu.vector_load %arg5[%get3A_185, %get3A_186] {strides = array<i32>} : memref<4x128xi32, #tpu.memory_space<vmem>>, vector<1x16xi32>,
    %get3A_188 = vector.shape_cast %get3A_187 : vector<1x16xi32> to vector<16xi32>
    %sub3A_189 = arith.constant 1 : i32
    %sub3A_190 = vector.broadcast %sub3A_189 : i32 to vector<16xi32>
    %sub3A_191 = arith.subi %get3A_188, %sub3A_190 : vector<16xi32>
    %and3A_192 = arith.constant 8191 : i32
    %and3A_193 = vector.broadcast %and3A_192 : i32 to vector<16xi32>
    %and3A_194 = arith.andi %sub3A_191, %and3A_193 : vector<16xi32>
    %swap3A_195 = arith.constant 1 : i32
    %swap3A_196 = arith.index_cast %swap3A_195 : i32 to index
    %swap3A_197 = arith.constant 48 : index
    %swap3A_198 = tpu.vector_load %arg5[%swap3A_196, %swap3A_197] {strides = array<i32>} : memref<4x128xi32, #tpu.memory_space<vmem>>, vector<1x16xi32>,
    %swap3A_199 = vector.shape_cast %swap3A_198 : vector<1x16xi32> to vector<16xi32>
    %swap3A_200 = vector.shape_cast %and3A_194 : vector<16xi32> to vector<1x16xi32>
    tpu.vector_store %arg5[%swap3A_196, %swap3A_197], %swap3A_200 {strides = array<i32>} : memref<4x128xi32, #tpu.memory_space<vmem>>, vector<1x16xi32>,
    %get3A_201 = arith.constant 1 : i32
    %get3A_202 = arith.index_cast %get3A_201 : i32 to index
    %get3A_203 = arith.constant 64 : index
    %get3A_204 = tpu.vector_load %arg5[%get3A_202, %get3A_203] {strides = array<i32>} : memref<4x128xi32, #tpu.memory_space<vmem>>, vector<1x16xi32>,
    %get3A_205 = vector.shape_cast %get3A_204 : vector<1x16xi32> to vector<16xi32>
    %sub3A_206 = arith.constant 1 : i32
    %sub3A_207 = vector.broadcast %sub3A_206 : i32 to vector<16xi32>
    %sub3A_208 = arith.subi %get3A_205, %sub3A_207 : vector<16xi32>
    %and3A_209 = arith.constant 8191 : i32
    %and3A_210 = vector.broadcast %and3A_209 : i32 to vector<16xi32>
    %and3A_211 = arith.andi %sub3A_208, %and3A_210 : vector<16xi32>
    %swap3A_212 = arith.constant 1 : i32
    %swap3A_213 = arith.index_cast %swap3A_212 : i32 to index
    %swap3A_214 = arith.constant 64 : index
    %swap3A_215 = tpu.vector_load %arg5[%swap3A_213, %swap3A_214] {strides = array<i32>} : memref<4x128xi32, #tpu.memory_space<vmem>>, vector<1x16xi32>,
    %swap3A_216 = vector.shape_cast %swap3A_215 : vector<1x16xi32> to vector<16xi32>
    %swap3A_217 = vector.shape_cast %and3A_211 : vector<16xi32> to vector<1x16xi32>
    tpu.vector_store %arg5[%swap3A_213, %swap3A_214], %swap3A_217 {strides = array<i32>} : memref<4x128xi32, #tpu.memory_space<vmem>>, vector<1x16xi32>,
    %get3A_218 = arith.constant 1 : i32
    %get3A_219 = arith.index_cast %get3A_218 : i32 to index
    %get3A_220 = arith.constant 80 : index
    %get3A_221 = tpu.vector_load %arg5[%get3A_219, %get3A_220] {strides = array<i32>} : memref<4x128xi32, #tpu.memory_space<vmem>>, vector<1x16xi32>,
    %get3A_222 = vector.shape_cast %get3A_221 : vector<1x16xi32> to vector<16xi32>
    %sub3A_223 = arith.constant 1 : i32
    %sub3A_224 = vector.broadcast %sub3A_223 : i32 to vector<16xi32>
    %sub3A_225 = arith.subi %get3A_222, %sub3A_224 : vector<16xi32>
    %and3A_226 = arith.constant 8191 : i32
    %and3A_227 = vector.broadcast %and3A_226 : i32 to vector<16xi32>
    %and3A_228 = arith.andi %sub3A_225, %and3A_227 : vector<16xi32>
    %swap3A_229 = arith.constant 1 : i32
    %swap3A_230 = arith.index_cast %swap3A_229 : i32 to index
    %swap3A_231 = arith.constant 80 : index
    %swap3A_232 = tpu.vector_load %arg5[%swap3A_230, %swap3A_231] {strides = array<i32>} : memref<4x128xi32, #tpu.memory_space<vmem>>, vector<1x16xi32>,
    %swap3A_233 = vector.shape_cast %swap3A_232 : vector<1x16xi32> to vector<16xi32>
    %swap3A_234 = vector.shape_cast %and3A_228 : vector<16xi32> to vector<1x16xi32>
    tpu.vector_store %arg5[%swap3A_230, %swap3A_231], %swap3A_234 {strides = array<i32>} : memref<4x128xi32, #tpu.memory_space<vmem>>, vector<1x16xi32>,
    %get3A_235 = arith.constant 1 : i32
    %get3A_236 = arith.index_cast %get3A_235 : i32 to index
    %get3A_237 = arith.constant 96 : index
    %get3A_238 = tpu.vector_load %arg5[%get3A_236, %get3A_237] {strides = array<i32>} : memref<4x128xi32, #tpu.memory_space<vmem>>, vector<1x16xi32>,
    %get3A_239 = vector.shape_cast %get3A_238 : vector<1x16xi32> to vector<16xi32>
    %sub3A_240 = arith.constant 1 : i32
    %sub3A_241 = vector.broadcast %sub3A_240 : i32 to vector<16xi32>
    %sub3A_242 = arith.subi %get3A_239, %sub3A_241 : vector<16xi32>
    %and3A_243 = arith.constant 8191 : i32
    %and3A_244 = vector.broadcast %and3A_243 : i32 to vector<16xi32>
    %and3A_245 = arith.andi %sub3A_242, %and3A_244 : vector<16xi32>
    %swap3A_246 = arith.constant 1 : i32
    %swap3A_247 = arith.index_cast %swap3A_246 : i32 to index
    %swap3A_248 = arith.constant 96 : index
    %swap3A_249 = tpu.vector_load %arg5[%swap3A_247, %swap3A_248] {strides = array<i32>} : memref<4x128xi32, #tpu.memory_space<vmem>>, vector<1x16xi32>,
    %swap3A_250 = vector.shape_cast %swap3A_249 : vector<1x16xi32> to vector<16xi32>
    %swap3A_251 = vector.shape_cast %and3A_245 : vector<16xi32> to vector<1x16xi32>
    tpu.vector_store %arg5[%swap3A_247, %swap3A_248], %swap3A_251 {strides = array<i32>} : memref<4x128xi32, #tpu.memory_space<vmem>>, vector<1x16xi32>,
    %get3A_252 = arith.constant 1 : i32
    %get3A_253 = arith.index_cast %get3A_252 : i32 to index
    %get3A_254 = arith.constant 112 : index
    %get3A_255 = tpu.vector_load %arg5[%get3A_253, %get3A_254] {strides = array<i32>} : memref<4x128xi32, #tpu.memory_space<vmem>>, vector<1x16xi32>,
    %get3A_256 = vector.shape_cast %get3A_255 : vector<1x16xi32> to vector<16xi32>
    %sub3A_257 = arith.constant 1 : i32
    %sub3A_258 = vector.broadcast %sub3A_257 : i32 to vector<16xi32>
    %sub3A_259 = arith.subi %get3A_256, %sub3A_258 : vector<16xi32>
    %and3A_260 = arith.constant 8191 : i32
    %and3A_261 = vector.broadcast %and3A_260 : i32 to vector<16xi32>
    %and3A_262 = arith.andi %sub3A_259, %and3A_261 : vector<16xi32>
    %swap3A_263 = arith.constant 1 : i32
    %swap3A_264 = arith.index_cast %swap3A_263 : i32 to index
    %swap3A_265 = arith.constant 112 : index
    %swap3A_266 = tpu.vector_load %arg5[%swap3A_264, %swap3A_265] {strides = array<i32>} : memref<4x128xi32, #tpu.memory_space<vmem>>, vector<1x16xi32>,
    %swap3A_267 = vector.shape_cast %swap3A_266 : vector<1x16xi32> to vector<16xi32>
    %swap3A_268 = vector.shape_cast %and3A_262 : vector<16xi32> to vector<1x16xi32>
    tpu.vector_store %arg5[%swap3A_264, %swap3A_265], %swap3A_268 {strides = array<i32>} : memref<4x128xi32, #tpu.memory_space<vmem>>, vector<1x16xi32>,
    %get3A_269 = arith.constant 2 : i32
    %get3A_270 = arith.index_cast %get3A_269 : i32 to index
    %get3A_271 = arith.constant 0 : index
    %get3A_272 = tpu.vector_load %arg5[%get3A_270, %get3A_271] {strides = array<i32>} : memref<4x128xi32, #tpu.memory_space<vmem>>, vector<1x16xi32>,
    %get3A_273 = vector.shape_cast %get3A_272 : vector<1x16xi32> to vector<16xi32>
    %sub3A_274 = arith.constant 1 : i32
    %sub3A_275 = vector.broadcast %sub3A_274 : i32 to vector<16xi32>
    %sub3A_276 = arith.subi %get3A_273, %sub3A_275 : vector<16xi32>
    %and3A_277 = arith.constant 8191 : i32
    %and3A_278 = vector.broadcast %and3A_277 : i32 to vector<16xi32>
    %and3A_279 = arith.andi %sub3A_276, %and3A_278 : vector<16xi32>
    %swap3A_280 = arith.constant 2 : i32
    %swap3A_281 = arith.index_cast %swap3A_280 : i32 to index
    %swap3A_282 = arith.constant 0 : index
    %swap3A_283 = tpu.vector_load %arg5[%swap3A_281, %swap3A_282] {strides = array<i32>} : memref<4x128xi32, #tpu.memory_space<vmem>>, vector<1x16xi32>,
    %swap3A_284 = vector.shape_cast %swap3A_283 : vector<1x16xi32> to vector<16xi32>
    %swap3A_285 = vector.shape_cast %and3A_279 : vector<16xi32> to vector<1x16xi32>
    tpu.vector_store %arg5[%swap3A_281, %swap3A_282], %swap3A_285 {strides = array<i32>} : memref<4x128xi32, #tpu.memory_space<vmem>>, vector<1x16xi32>,
    %get3A_286 = arith.constant 2 : i32
    %get3A_287 = arith.index_cast %get3A_286 : i32 to index
    %get3A_288 = arith.constant 16 : index
    %get3A_289 = tpu.vector_load %arg5[%get3A_287, %get3A_288] {strides = array<i32>} : memref<4x128xi32, #tpu.memory_space<vmem>>, vector<1x16xi32>,
    %get3A_290 = vector.shape_cast %get3A_289 : vector<1x16xi32> to vector<16xi32>
    %sub3A_291 = arith.constant 1 : i32
    %sub3A_292 = vector.broadcast %sub3A_291 : i32 to vector<16xi32>
    %sub3A_293 = arith.subi %get3A_290, %sub3A_292 : vector<16xi32>
    %and3A_294 = arith.constant 8191 : i32
    %and3A_295 = vector.broadcast %and3A_294 : i32 to vector<16xi32>
    %and3A_296 = arith.andi %sub3A_293, %and3A_295 : vector<16xi32>
    %swap3A_297 = arith.constant 2 : i32
    %swap3A_298 = arith.index_cast %swap3A_297 : i32 to index
    %swap3A_299 = arith.constant 16 : index
    %swap3A_300 = tpu.vector_load %arg5[%swap3A_298, %swap3A_299] {strides = array<i32>} : memref<4x128xi32, #tpu.memory_space<vmem>>, vector<1x16xi32>,
    %swap3A_301 = vector.shape_cast %swap3A_300 : vector<1x16xi32> to vector<16xi32>
    %swap3A_302 = vector.shape_cast %and3A_296 : vector<16xi32> to vector<1x16xi32>
    tpu.vector_store %arg5[%swap3A_298, %swap3A_299], %swap3A_302 {strides = array<i32>} : memref<4x128xi32, #tpu.memory_space<vmem>>, vector<1x16xi32>,
    %get3A_303 = arith.constant 2 : i32
    %get3A_304 = arith.index_cast %get3A_303 : i32 to index
    %get3A_305 = arith.constant 32 : index
    %get3A_306 = tpu.vector_load %arg5[%get3A_304, %get3A_305] {strides = array<i32>} : memref<4x128xi32, #tpu.memory_space<vmem>>, vector<1x16xi32>,
    %get3A_307 = vector.shape_cast %get3A_306 : vector<1x16xi32> to vector<16xi32>
    %sub3A_308 = arith.constant 1 : i32
    %sub3A_309 = vector.broadcast %sub3A_308 : i32 to vector<16xi32>
    %sub3A_310 = arith.subi %get3A_307, %sub3A_309 : vector<16xi32>
    %and3A_311 = arith.constant 8191 : i32
    %and3A_312 = vector.broadcast %and3A_311 : i32 to vector<16xi32>
    %and3A_313 = arith.andi %sub3A_310, %and3A_312 : vector<16xi32>
    %swap3A_314 = arith.constant 2 : i32
    %swap3A_315 = arith.index_cast %swap3A_314 : i32 to index
    %swap3A_316 = arith.constant 32 : index
    %swap3A_317 = tpu.vector_load %arg5[%swap3A_315, %swap3A_316] {strides = array<i32>} : memref<4x128xi32, #tpu.memory_space<vmem>>, vector<1x16xi32>,
    %swap3A_318 = vector.shape_cast %swap3A_317 : vector<1x16xi32> to vector<16xi32>
    %swap3A_319 = vector.shape_cast %and3A_313 : vector<16xi32> to vector<1x16xi32>
    tpu.vector_store %arg5[%swap3A_315, %swap3A_316], %swap3A_319 {strides = array<i32>} : memref<4x128xi32, #tpu.memory_space<vmem>>, vector<1x16xi32>,
    %get3A_320 = arith.constant 2 : i32
    %get3A_321 = arith.index_cast %get3A_320 : i32 to index
    %get3A_322 = arith.constant 48 : index
    %get3A_323 = tpu.vector_load %arg5[%get3A_321, %get3A_322] {strides = array<i32>} : memref<4x128xi32, #tpu.memory_space<vmem>>, vector<1x16xi32>,
    %get3A_324 = vector.shape_cast %get3A_323 : vector<1x16xi32> to vector<16xi32>
    %sub3A_325 = arith.constant 1 : i32
    %sub3A_326 = vector.broadcast %sub3A_325 : i32 to vector<16xi32>
    %sub3A_327 = arith.subi %get3A_324, %sub3A_326 : vector<16xi32>
    %and3A_328 = arith.constant 8191 : i32
    %and3A_329 = vector.broadcast %and3A_328 : i32 to vector<16xi32>
    %and3A_330 = arith.andi %sub3A_327, %and3A_329 : vector<16xi32>
    %swap3A_331 = arith.constant 2 : i32
    %swap3A_332 = arith.index_cast %swap3A_331 : i32 to index
    %swap3A_333 = arith.constant 48 : index
    %swap3A_334 = tpu.vector_load %arg5[%swap3A_332, %swap3A_333] {strides = array<i32>} : memref<4x128xi32, #tpu.memory_space<vmem>>, vector<1x16xi32>,
    %swap3A_335 = vector.shape_cast %swap3A_334 : vector<1x16xi32> to vector<16xi32>
    %swap3A_336 = vector.shape_cast %and3A_330 : vector<16xi32> to vector<1x16xi32>
    tpu.vector_store %arg5[%swap3A_332, %swap3A_333], %swap3A_336 {strides = array<i32>} : memref<4x128xi32, #tpu.memory_space<vmem>>, vector<1x16xi32>,
    %get3A_337 = arith.constant 2 : i32
    %get3A_338 = arith.index_cast %get3A_337 : i32 to index
    %get3A_339 = arith.constant 64 : index
    %get3A_340 = tpu.vector_load %arg5[%get3A_338, %get3A_339] {strides = array<i32>} : memref<4x128xi32, #tpu.memory_space<vmem>>, vector<1x16xi32>,
    %get3A_341 = vector.shape_cast %get3A_340 : vector<1x16xi32> to vector<16xi32>
    %sub3A_342 = arith.constant 1 : i32
    %sub3A_343 = vector.broadcast %sub3A_342 : i32 to vector<16xi32>
    %sub3A_344 = arith.subi %get3A_341, %sub3A_343 : vector<16xi32>
    %and3A_345 = arith.constant 8191 : i32
    %and3A_346 = vector.broadcast %and3A_345 : i32 to vector<16xi32>
    %and3A_347 = arith.andi %sub3A_344, %and3A_346 : vector<16xi32>
    %swap3A_348 = arith.constant 2 : i32
    %swap3A_349 = arith.index_cast %swap3A_348 : i32 to index
    %swap3A_350 = arith.constant 64 : index
    %swap3A_351 = tpu.vector_load %arg5[%swap3A_349, %swap3A_350] {strides = array<i32>} : memref<4x128xi32, #tpu.memory_space<vmem>>, vector<1x16xi32>,
    %swap3A_352 = vector.shape_cast %swap3A_351 : vector<1x16xi32> to vector<16xi32>
    %swap3A_353 = vector.shape_cast %and3A_347 : vector<16xi32> to vector<1x16xi32>
    tpu.vector_store %arg5[%swap3A_349, %swap3A_350], %swap3A_353 {strides = array<i32>} : memref<4x128xi32, #tpu.memory_space<vmem>>, vector<1x16xi32>,
    %get3A_354 = arith.constant 2 : i32
    %get3A_355 = arith.index_cast %get3A_354 : i32 to index
    %get3A_356 = arith.constant 80 : index
    %get3A_357 = tpu.vector_load %arg5[%get3A_355, %get3A_356] {strides = array<i32>} : memref<4x128xi32, #tpu.memory_space<vmem>>, vector<1x16xi32>,
    %get3A_358 = vector.shape_cast %get3A_357 : vector<1x16xi32> to vector<16xi32>
    %sub3A_359 = arith.constant 1 : i32
    %sub3A_360 = vector.broadcast %sub3A_359 : i32 to vector<16xi32>
    %sub3A_361 = arith.subi %get3A_358, %sub3A_360 : vector<16xi32>
    %and3A_362 = arith.constant 8191 : i32
    %and3A_363 = vector.broadcast %and3A_362 : i32 to vector<16xi32>
    %and3A_364 = arith.andi %sub3A_361, %and3A_363 : vector<16xi32>
    %swap3A_365 = arith.constant 2 : i32
    %swap3A_366 = arith.index_cast %swap3A_365 : i32 to index
    %swap3A_367 = arith.constant 80 : index
    %swap3A_368 = tpu.vector_load %arg5[%swap3A_366, %swap3A_367] {strides = array<i32>} : memref<4x128xi32, #tpu.memory_space<vmem>>, vector<1x16xi32>,
    %swap3A_369 = vector.shape_cast %swap3A_368 : vector<1x16xi32> to vector<16xi32>
    %swap3A_370 = vector.shape_cast %and3A_364 : vector<16xi32> to vector<1x16xi32>
    tpu.vector_store %arg5[%swap3A_366, %swap3A_367], %swap3A_370 {strides = array<i32>} : memref<4x128xi32, #tpu.memory_space<vmem>>, vector<1x16xi32>,
    %get3A_371 = arith.constant 2 : i32
    %get3A_372 = arith.index_cast %get3A_371 : i32 to index
    %get3A_373 = arith.constant 96 : index
    %get3A_374 = tpu.vector_load %arg5[%get3A_372, %get3A_373] {strides = array<i32>} : memref<4x128xi32, #tpu.memory_space<vmem>>, vector<1x16xi32>,
    %get3A_375 = vector.shape_cast %get3A_374 : vector<1x16xi32> to vector<16xi32>
    %sub3A_376 = arith.constant 1 : i32
    %sub3A_377 = vector.broadcast %sub3A_376 : i32 to vector<16xi32>
    %sub3A_378 = arith.subi %get3A_375, %sub3A_377 : vector<16xi32>
    %and3A_379 = arith.constant 8191 : i32
    %and3A_380 = vector.broadcast %and3A_379 : i32 to vector<16xi32>
    %and3A_381 = arith.andi %sub3A_378, %and3A_380 : vector<16xi32>
    %swap3A_382 = arith.constant 2 : i32
    %swap3A_383 = arith.index_cast %swap3A_382 : i32 to index
    %swap3A_384 = arith.constant 96 : index
    %swap3A_385 = tpu.vector_load %arg5[%swap3A_383, %swap3A_384] {strides = array<i32>} : memref<4x128xi32, #tpu.memory_space<vmem>>, vector<1x16xi32>,
    %swap3A_386 = vector.shape_cast %swap3A_385 : vector<1x16xi32> to vector<16xi32>
    %swap3A_387 = vector.shape_cast %and3A_381 : vector<16xi32> to vector<1x16xi32>
    tpu.vector_store %arg5[%swap3A_383, %swap3A_384], %swap3A_387 {strides = array<i32>} : memref<4x128xi32, #tpu.memory_space<vmem>>, vector<1x16xi32>,
    %get3A_388 = arith.constant 2 : i32
    %get3A_389 = arith.index_cast %get3A_388 : i32 to index
    %get3A_390 = arith.constant 112 : index
    %get3A_391 = tpu.vector_load %arg5[%get3A_389, %get3A_390] {strides = array<i32>} : memref<4x128xi32, #tpu.memory_space<vmem>>, vector<1x16xi32>,
    %get3A_392 = vector.shape_cast %get3A_391 : vector<1x16xi32> to vector<16xi32>
    %sub3A_393 = arith.constant 1 : i32
    %sub3A_394 = vector.broadcast %sub3A_393 : i32 to vector<16xi32>
    %sub3A_395 = arith.subi %get3A_392, %sub3A_394 : vector<16xi32>
    %and3A_396 = arith.constant 8191 : i32
    %and3A_397 = vector.broadcast %and3A_396 : i32 to vector<16xi32>
    %and3A_398 = arith.andi %sub3A_395, %and3A_397 : vector<16xi32>
    %swap3A_399 = arith.constant 2 : i32
    %swap3A_400 = arith.index_cast %swap3A_399 : i32 to index
    %swap3A_401 = arith.constant 112 : index
    %swap3A_402 = tpu.vector_load %arg5[%swap3A_400, %swap3A_401] {strides = array<i32>} : memref<4x128xi32, #tpu.memory_space<vmem>>, vector<1x16xi32>,
    %swap3A_403 = vector.shape_cast %swap3A_402 : vector<1x16xi32> to vector<16xi32>
    %swap3A_404 = vector.shape_cast %and3A_398 : vector<16xi32> to vector<1x16xi32>
    tpu.vector_store %arg5[%swap3A_400, %swap3A_401], %swap3A_404 {strides = array<i32>} : memref<4x128xi32, #tpu.memory_space<vmem>>, vector<1x16xi32>,
    %get3A_405 = arith.constant 3 : i32
    %get3A_406 = arith.index_cast %get3A_405 : i32 to index
    %get3A_407 = arith.constant 0 : index
    %get3A_408 = tpu.vector_load %arg5[%get3A_406, %get3A_407] {strides = array<i32>} : memref<4x128xi32, #tpu.memory_space<vmem>>, vector<1x16xi32>,
    %get3A_409 = vector.shape_cast %get3A_408 : vector<1x16xi32> to vector<16xi32>
    %sub3A_410 = arith.constant 1 : i32
    %sub3A_411 = vector.broadcast %sub3A_410 : i32 to vector<16xi32>
    %sub3A_412 = arith.subi %get3A_409, %sub3A_411 : vector<16xi32>
    %and3A_413 = arith.constant 8191 : i32
    %and3A_414 = vector.broadcast %and3A_413 : i32 to vector<16xi32>
    %and3A_415 = arith.andi %sub3A_412, %and3A_414 : vector<16xi32>
    %swap3A_416 = arith.constant 3 : i32
    %swap3A_417 = arith.index_cast %swap3A_416 : i32 to index
    %swap3A_418 = arith.constant 0 : index
    %swap3A_419 = tpu.vector_load %arg5[%swap3A_417, %swap3A_418] {strides = array<i32>} : memref<4x128xi32, #tpu.memory_space<vmem>>, vector<1x16xi32>,
    %swap3A_420 = vector.shape_cast %swap3A_419 : vector<1x16xi32> to vector<16xi32>
    %swap3A_421 = vector.shape_cast %and3A_415 : vector<16xi32> to vector<1x16xi32>
    tpu.vector_store %arg5[%swap3A_417, %swap3A_418], %swap3A_421 {strides = array<i32>} : memref<4x128xi32, #tpu.memory_space<vmem>>, vector<1x16xi32>,
    %get3A_422 = arith.constant 3 : i32
    %get3A_423 = arith.index_cast %get3A_422 : i32 to index
    %get3A_424 = arith.constant 16 : index
    %get3A_425 = tpu.vector_load %arg5[%get3A_423, %get3A_424] {strides = array<i32>} : memref<4x128xi32, #tpu.memory_space<vmem>>, vector<1x16xi32>,
    %get3A_426 = vector.shape_cast %get3A_425 : vector<1x16xi32> to vector<16xi32>
    %sub3A_427 = arith.constant 1 : i32
    %sub3A_428 = vector.broadcast %sub3A_427 : i32 to vector<16xi32>
    %sub3A_429 = arith.subi %get3A_426, %sub3A_428 : vector<16xi32>
    %and3A_430 = arith.constant 8191 : i32
    %and3A_431 = vector.broadcast %and3A_430 : i32 to vector<16xi32>
    %and3A_432 = arith.andi %sub3A_429, %and3A_431 : vector<16xi32>
    %swap3A_433 = arith.constant 3 : i32
    %swap3A_434 = arith.index_cast %swap3A_433 : i32 to index
    %swap3A_435 = arith.constant 16 : index
    %swap3A_436 = tpu.vector_load %arg5[%swap3A_434, %swap3A_435] {strides = array<i32>} : memref<4x128xi32, #tpu.memory_space<vmem>>, vector<1x16xi32>,
    %swap3A_437 = vector.shape_cast %swap3A_436 : vector<1x16xi32> to vector<16xi32>
    %swap3A_438 = vector.shape_cast %and3A_432 : vector<16xi32> to vector<1x16xi32>
    tpu.vector_store %arg5[%swap3A_434, %swap3A_435], %swap3A_438 {strides = array<i32>} : memref<4x128xi32, #tpu.memory_space<vmem>>, vector<1x16xi32>,
    %get3A_439 = arith.constant 3 : i32
    %get3A_440 = arith.index_cast %get3A_439 : i32 to index
    %get3A_441 = arith.constant 32 : index
    %get3A_442 = tpu.vector_load %arg5[%get3A_440, %get3A_441] {strides = array<i32>} : memref<4x128xi32, #tpu.memory_space<vmem>>, vector<1x16xi32>,
    %get3A_443 = vector.shape_cast %get3A_442 : vector<1x16xi32> to vector<16xi32>
    %sub3A_444 = arith.constant 1 : i32
    %sub3A_445 = vector.broadcast %sub3A_444 : i32 to vector<16xi32>
    %sub3A_446 = arith.subi %get3A_443, %sub3A_445 : vector<16xi32>
    %and3A_447 = arith.constant 8191 : i32
    %and3A_448 = vector.broadcast %and3A_447 : i32 to vector<16xi32>
    %and3A_449 = arith.andi %sub3A_446, %and3A_448 : vector<16xi32>
    %swap3A_450 = arith.constant 3 : i32
    %swap3A_451 = arith.index_cast %swap3A_450 : i32 to index
    %swap3A_452 = arith.constant 32 : index
    %swap3A_453 = tpu.vector_load %arg5[%swap3A_451, %swap3A_452] {strides = array<i32>} : memref<4x128xi32, #tpu.memory_space<vmem>>, vector<1x16xi32>,
    %swap3A_454 = vector.shape_cast %swap3A_453 : vector<1x16xi32> to vector<16xi32>
    %swap3A_455 = vector.shape_cast %and3A_449 : vector<16xi32> to vector<1x16xi32>
    tpu.vector_store %arg5[%swap3A_451, %swap3A_452], %swap3A_455 {strides = array<i32>} : memref<4x128xi32, #tpu.memory_space<vmem>>, vector<1x16xi32>,
    %get3A_456 = arith.constant 3 : i32
    %get3A_457 = arith.index_cast %get3A_456 : i32 to index
    %get3A_458 = arith.constant 48 : index
    %get3A_459 = tpu.vector_load %arg5[%get3A_457, %get3A_458] {strides = array<i32>} : memref<4x128xi32, #tpu.memory_space<vmem>>, vector<1x16xi32>,
    %get3A_460 = vector.shape_cast %get3A_459 : vector<1x16xi32> to vector<16xi32>
    %sub3A_461 = arith.constant 1 : i32
    %sub3A_462 = vector.broadcast %sub3A_461 : i32 to vector<16xi32>
    %sub3A_463 = arith.subi %get3A_460, %sub3A_462 : vector<16xi32>
    %and3A_464 = arith.constant 8191 : i32
    %and3A_465 = vector.broadcast %and3A_464 : i32 to vector<16xi32>
    %and3A_466 = arith.andi %sub3A_463, %and3A_465 : vector<16xi32>
    %swap3A_467 = arith.constant 3 : i32
    %swap3A_468 = arith.index_cast %swap3A_467 : i32 to index
    %swap3A_469 = arith.constant 48 : index
    %swap3A_470 = tpu.vector_load %arg5[%swap3A_468, %swap3A_469] {strides = array<i32>} : memref<4x128xi32, #tpu.memory_space<vmem>>, vector<1x16xi32>,
    %swap3A_471 = vector.shape_cast %swap3A_470 : vector<1x16xi32> to vector<16xi32>
    %swap3A_472 = vector.shape_cast %and3A_466 : vector<16xi32> to vector<1x16xi32>
    tpu.vector_store %arg5[%swap3A_468, %swap3A_469], %swap3A_472 {strides = array<i32>} : memref<4x128xi32, #tpu.memory_space<vmem>>, vector<1x16xi32>,
    %get3A_473 = arith.constant 3 : i32
    %get3A_474 = arith.index_cast %get3A_473 : i32 to index
    %get3A_475 = arith.constant 64 : index
    %get3A_476 = tpu.vector_load %arg5[%get3A_474, %get3A_475] {strides = array<i32>} : memref<4x128xi32, #tpu.memory_space<vmem>>, vector<1x16xi32>,
    %get3A_477 = vector.shape_cast %get3A_476 : vector<1x16xi32> to vector<16xi32>
    %sub3A_478 = arith.constant 1 : i32
    %sub3A_479 = vector.broadcast %sub3A_478 : i32 to vector<16xi32>
    %sub3A_480 = arith.subi %get3A_477, %sub3A_479 : vector<16xi32>
    %and3A_481 = arith.constant 8191 : i32
    %and3A_482 = vector.broadcast %and3A_481 : i32 to vector<16xi32>
    %and3A_483 = arith.andi %sub3A_480, %and3A_482 : vector<16xi32>
    %swap3A_484 = arith.constant 3 : i32
    %swap3A_485 = arith.index_cast %swap3A_484 : i32 to index
    %swap3A_486 = arith.constant 64 : index
    %swap3A_487 = tpu.vector_load %arg5[%swap3A_485, %swap3A_486] {strides = array<i32>} : memref<4x128xi32, #tpu.memory_space<vmem>>, vector<1x16xi32>,
    %swap3A_488 = vector.shape_cast %swap3A_487 : vector<1x16xi32> to vector<16xi32>
    %swap3A_489 = vector.shape_cast %and3A_483 : vector<16xi32> to vector<1x16xi32>
    tpu.vector_store %arg5[%swap3A_485, %swap3A_486], %swap3A_489 {strides = array<i32>} : memref<4x128xi32, #tpu.memory_space<vmem>>, vector<1x16xi32>,
    %get3A_490 = arith.constant 3 : i32
    %get3A_491 = arith.index_cast %get3A_490 : i32 to index
    %get3A_492 = arith.constant 80 : index
    %get3A_493 = tpu.vector_load %arg5[%get3A_491, %get3A_492] {strides = array<i32>} : memref<4x128xi32, #tpu.memory_space<vmem>>, vector<1x16xi32>,
    %get3A_494 = vector.shape_cast %get3A_493 : vector<1x16xi32> to vector<16xi32>
    %sub3A_495 = arith.constant 1 : i32
    %sub3A_496 = vector.broadcast %sub3A_495 : i32 to vector<16xi32>
    %sub3A_497 = arith.subi %get3A_494, %sub3A_496 : vector<16xi32>
    %and3A_498 = arith.constant 8191 : i32
    %and3A_499 = vector.broadcast %and3A_498 : i32 to vector<16xi32>
    %and3A_500 = arith.andi %sub3A_497, %and3A_499 : vector<16xi32>
    %swap3A_501 = arith.constant 3 : i32
    %swap3A_502 = arith.index_cast %swap3A_501 : i32 to index
    %swap3A_503 = arith.constant 80 : index
    %swap3A_504 = tpu.vector_load %arg5[%swap3A_502, %swap3A_503] {strides = array<i32>} : memref<4x128xi32, #tpu.memory_space<vmem>>, vector<1x16xi32>,
    %swap3A_505 = vector.shape_cast %swap3A_504 : vector<1x16xi32> to vector<16xi32>
    %swap3A_506 = vector.shape_cast %and3A_500 : vector<16xi32> to vector<1x16xi32>
    tpu.vector_store %arg5[%swap3A_502, %swap3A_503], %swap3A_506 {strides = array<i32>} : memref<4x128xi32, #tpu.memory_space<vmem>>, vector<1x16xi32>,
    %get3A_507 = arith.constant 3 : i32
    %get3A_508 = arith.index_cast %get3A_507 : i32 to index
    %get3A_509 = arith.constant 96 : index
    %get3A_510 = tpu.vector_load %arg5[%get3A_508, %get3A_509] {strides = array<i32>} : memref<4x128xi32, #tpu.memory_space<vmem>>, vector<1x16xi32>,
    %get3A_511 = vector.shape_cast %get3A_510 : vector<1x16xi32> to vector<16xi32>
    %sub3A_512 = arith.constant 1 : i32
    %sub3A_513 = vector.broadcast %sub3A_512 : i32 to vector<16xi32>
    %sub3A_514 = arith.subi %get3A_511, %sub3A_513 : vector<16xi32>
    %and3A_515 = arith.constant 8191 : i32
    %and3A_516 = vector.broadcast %and3A_515 : i32 to vector<16xi32>
    %and3A_517 = arith.andi %sub3A_514, %and3A_516 : vector<16xi32>
    %swap3A_518 = arith.constant 3 : i32
    %swap3A_519 = arith.index_cast %swap3A_518 : i32 to index
    %swap3A_520 = arith.constant 96 : index
    %swap3A_521 = tpu.vector_load %arg5[%swap3A_519, %swap3A_520] {strides = array<i32>} : memref<4x128xi32, #tpu.memory_space<vmem>>, vector<1x16xi32>,
    %swap3A_522 = vector.shape_cast %swap3A_521 : vector<1x16xi32> to vector<16xi32>
    %swap3A_523 = vector.shape_cast %and3A_517 : vector<16xi32> to vector<1x16xi32>
    tpu.vector_store %arg5[%swap3A_519, %swap3A_520], %swap3A_523 {strides = array<i32>} : memref<4x128xi32, #tpu.memory_space<vmem>>, vector<1x16xi32>,
    %get3A_524 = arith.constant 3 : i32
    %get3A_525 = arith.index_cast %get3A_524 : i32 to index
    %get3A_526 = arith.constant 112 : index
    %get3A_527 = tpu.vector_load %arg5[%get3A_525, %get3A_526] {strides = array<i32>} : memref<4x128xi32, #tpu.memory_space<vmem>>, vector<1x16xi32>,
    %get3A_528 = vector.shape_cast %get3A_527 : vector<1x16xi32> to vector<16xi32>
    %sub3A_529 = arith.constant 1 : i32
    %sub3A_530 = vector.broadcast %sub3A_529 : i32 to vector<16xi32>
    %sub3A_531 = arith.subi %get3A_528, %sub3A_530 : vector<16xi32>
    %and3A_532 = arith.constant 8191 : i32
    %and3A_533 = vector.broadcast %and3A_532 : i32 to vector<16xi32>
    %and3A_534 = arith.andi %sub3A_531, %and3A_533 : vector<16xi32>
    %swap3A_535 = arith.constant 3 : i32
    %swap3A_536 = arith.index_cast %swap3A_535 : i32 to index
    %swap3A_537 = arith.constant 112 : index
    %swap3A_538 = tpu.vector_load %arg5[%swap3A_536, %swap3A_537] {strides = array<i32>} : memref<4x128xi32, #tpu.memory_space<vmem>>, vector<1x16xi32>,
    %swap3A_539 = vector.shape_cast %swap3A_538 : vector<1x16xi32> to vector<16xi32>
    %swap3A_540 = vector.shape_cast %and3A_534 : vector<16xi32> to vector<1x16xi32>
    tpu.vector_store %arg5[%swap3A_536, %swap3A_537], %swap3A_540 {strides = array<i32>} : memref<4x128xi32, #tpu.memory_space<vmem>>, vector<1x16xi32>,
    %dma_start3A = arith.constant 0 : i32
    %dma_start3A_541 = arith.constant 0 : i32
    %dma_start3A_542 = arith.constant 0 : i32
    %dma_start3A_543 = arith.constant 0 : i32
    %dma_start3A_544 = tpu.memref_slice %arg6[%dma_start3A_541, %dma_start3A_542, %dma_start3A_543] : memref<4x128x128xf32, #tpu.memory_space<vmem>> -> memref<1x128x128xf32, #tpu.memory_space<vmem>>
    %dma_start3A_545 = tpu.memref_squeeze %dma_start3A_544 : memref<1x128x128xf32, #tpu.memory_space<vmem>> -> memref<128x128xf32, #tpu.memory_space<vmem>>
    %dma_start3A_546 = arith.constant 0 : i32
    %dma_start3A_547 = tpu.memref_slice %arg5[%dma_start3A, %dma_start3A_546] : memref<4x128xi32, #tpu.memory_space<vmem>> -> memref<1x128xi32, #tpu.memory_space<vmem>>
    %dma_start3A_548 = tpu.memref_squeeze %dma_start3A_547 : memref<1x128xi32, #tpu.memory_space<vmem>> -> memref<128xi32, #tpu.memory_space<vmem>>
    %dma_start3A_549 = arith.constant 0 : i32
    %dma_start3A_550 = arith.constant 0 : i32
    %dma_start3A_551 = tpu.memref_slice %arg3[%dma_start3A_549, %dma_start3A_550] : memref<8192x128xf32, #tpu.memory_space<hbm>> -> memref<8192x128xf32, #tpu.memory_space<hbm>>
    tpu.enqueue_indirect_dma source(%dma_start3A_551 : memref<8192x128xf32, #tpu.memory_space<hbm>>) target(%dma_start3A_545 : memref<128x128xf32, #tpu.memory_space<vmem>>) offsets(%dma_start3A_548 : memref<128xi32, #tpu.memory_space<vmem>>) semaphore(%arg7 : memref<!tpu.dma_semaphore, #tpu.memory_space<semaphore_mem>>)
    %dma_start3A_552 = arith.constant 1 : i32
    %dma_start3A_553 = arith.constant 1 : i32
    %dma_start3A_554 = arith.constant 0 : i32
    %dma_start3A_555 = arith.constant 0 : i32
    %dma_start3A_556 = tpu.memref_slice %arg6[%dma_start3A_553, %dma_start3A_554, %dma_start3A_555] : memref<4x128x128xf32, #tpu.memory_space<vmem>> -> memref<1x128x128xf32, #tpu.memory_space<vmem>>
    %dma_start3A_557 = tpu.memref_squeeze %dma_start3A_556 : memref<1x128x128xf32, #tpu.memory_space<vmem>> -> memref<128x128xf32, #tpu.memory_space<vmem>>
    %dma_start3A_558 = arith.constant 0 : i32
    %dma_start3A_559 = tpu.memref_slice %arg5[%dma_start3A_552, %dma_start3A_558] : memref<4x128xi32, #tpu.memory_space<vmem>> -> memref<1x128xi32, #tpu.memory_space<vmem>>
    %dma_start3A_560 = tpu.memref_squeeze %dma_start3A_559 : memref<1x128xi32, #tpu.memory_space<vmem>> -> memref<128xi32, #tpu.memory_space<vmem>>
    %dma_start3A_561 = arith.constant 0 : i32
    %dma_start3A_562 = arith.constant 0 : i32
    %dma_start3A_563 = tpu.memref_slice %arg3[%dma_start3A_561, %dma_start3A_562] : memref<8192x128xf32, #tpu.memory_space<hbm>> -> memref<8192x128xf32, #tpu.memory_space<hbm>>
    tpu.enqueue_indirect_dma source(%dma_start3A_563 : memref<8192x128xf32, #tpu.memory_space<hbm>>) target(%dma_start3A_557 : memref<128x128xf32, #tpu.memory_space<vmem>>) offsets(%dma_start3A_560 : memref<128xi32, #tpu.memory_space<vmem>>) semaphore(%arg7 : memref<!tpu.dma_semaphore, #tpu.memory_space<semaphore_mem>>)
    %dma_start3A_564 = arith.constant 2 : i32
    %dma_start3A_565 = arith.constant 2 : i32
    %dma_start3A_566 = arith.constant 0 : i32
    %dma_start3A_567 = arith.constant 0 : i32
    %dma_start3A_568 = tpu.memref_slice %arg6[%dma_start3A_565, %dma_start3A_566, %dma_start3A_567] : memref<4x128x128xf32, #tpu.memory_space<vmem>> -> memref<1x128x128xf32, #tpu.memory_space<vmem>>
    %dma_start3A_569 = tpu.memref_squeeze %dma_start3A_568 : memref<1x128x128xf32, #tpu.memory_space<vmem>> -> memref<128x128xf32, #tpu.memory_space<vmem>>
    %dma_start3A_570 = arith.constant 0 : i32
    %dma_start3A_571 = tpu.memref_slice %arg5[%dma_start3A_564, %dma_start3A_570] : memref<4x128xi32, #tpu.memory_space<vmem>> -> memref<1x128xi32, #tpu.memory_space<vmem>>
    %dma_start3A_572 = tpu.memref_squeeze %dma_start3A_571 : memref<1x128xi32, #tpu.memory_space<vmem>> -> memref<128xi32, #tpu.memory_space<vmem>>
    %dma_start3A_573 = arith.constant 0 : i32
    %dma_start3A_574 = arith.constant 0 : i32
    %dma_start3A_575 = tpu.memref_slice %arg3[%dma_start3A_573, %dma_start3A_574] : memref<8192x128xf32, #tpu.memory_space<hbm>> -> memref<8192x128xf32, #tpu.memory_space<hbm>>
    tpu.enqueue_indirect_dma source(%dma_start3A_575 : memref<8192x128xf32, #tpu.memory_space<hbm>>) target(%dma_start3A_569 : memref<128x128xf32, #tpu.memory_space<vmem>>) offsets(%dma_start3A_572 : memref<128xi32, #tpu.memory_space<vmem>>) semaphore(%arg7 : memref<!tpu.dma_semaphore, #tpu.memory_space<semaphore_mem>>)
    %dma_start3A_576 = arith.constant 3 : i32
    %dma_start3A_577 = arith.constant 3 : i32
    %dma_start3A_578 = arith.constant 0 : i32
    %dma_start3A_579 = arith.constant 0 : i32
    %dma_start3A_580 = tpu.memref_slice %arg6[%dma_start3A_577, %dma_start3A_578, %dma_start3A_579] : memref<4x128x128xf32, #tpu.memory_space<vmem>> -> memref<1x128x128xf32, #tpu.memory_space<vmem>>
    %dma_start3A_581 = tpu.memref_squeeze %dma_start3A_580 : memref<1x128x128xf32, #tpu.memory_space<vmem>> -> memref<128x128xf32, #tpu.memory_space<vmem>>
    %dma_start3A_582 = arith.constant 0 : i32
    %dma_start3A_583 = tpu.memref_slice %arg5[%dma_start3A_576, %dma_start3A_582] : memref<4x128xi32, #tpu.memory_space<vmem>> -> memref<1x128xi32, #tpu.memory_space<vmem>>
    %dma_start3A_584 = tpu.memref_squeeze %dma_start3A_583 : memref<1x128xi32, #tpu.memory_space<vmem>> -> memref<128xi32, #tpu.memory_space<vmem>>
    %dma_start3A_585 = arith.constant 0 : i32
    %dma_start3A_586 = arith.constant 0 : i32
    %dma_start3A_587 = tpu.memref_slice %arg3[%dma_start3A_585, %dma_start3A_586] : memref<8192x128xf32, #tpu.memory_space<hbm>> -> memref<8192x128xf32, #tpu.memory_space<hbm>>
    tpu.enqueue_indirect_dma source(%dma_start3A_587 : memref<8192x128xf32, #tpu.memory_space<hbm>>) target(%dma_start3A_581 : memref<128x128xf32, #tpu.memory_space<vmem>>) offsets(%dma_start3A_584 : memref<128xi32, #tpu.memory_space<vmem>>) semaphore(%arg7 : memref<!tpu.dma_semaphore, #tpu.memory_space<semaphore_mem>>)
    %dma_wait3A = arith.constant 0 : i32
    %dma_wait3A_588 = arith.constant 0 : i32
    %dma_wait3A_589 = arith.constant 0 : i32
    %dma_wait3A_590 = arith.constant 0 : i32
    %dma_wait3A_591 = tpu.memref_slice %arg6[%dma_wait3A_588, %dma_wait3A_589, %dma_wait3A_590] : memref<4x128x128xf32, #tpu.memory_space<vmem>> -> memref<1x128x128xf32, #tpu.memory_space<vmem>>
    %dma_wait3A_592 = tpu.memref_squeeze %dma_wait3A_591 : memref<1x128x128xf32, #tpu.memory_space<vmem>> -> memref<128x128xf32, #tpu.memory_space<vmem>>
    %dma_wait3A_593 = arith.constant 0 : i32
    %dma_wait3A_594 = tpu.memref_slice %arg5[%dma_wait3A, %dma_wait3A_593] : memref<4x128xi32, #tpu.memory_space<vmem>> -> memref<1x128xi32, #tpu.memory_space<vmem>>
    %dma_wait3A_595 = tpu.memref_squeeze %dma_wait3A_594 : memref<1x128xi32, #tpu.memory_space<vmem>> -> memref<128xi32, #tpu.memory_space<vmem>>
    %dma_wait3A_596 = arith.constant 0 : i32
    %dma_wait3A_597 = arith.constant 0 : i32
    %dma_wait3A_598 = tpu.memref_slice %arg3[%dma_wait3A_596, %dma_wait3A_597] : memref<8192x128xf32, #tpu.memory_space<hbm>> -> memref<8192x128xf32, #tpu.memory_space<hbm>>
    tpu.wait_indirect_dma semaphore(%arg7 : memref<!tpu.dma_semaphore, #tpu.memory_space<semaphore_mem>>) src(%dma_wait3A_598 : memref<8192x128xf32, #tpu.memory_space<hbm>>) dst(%dma_wait3A_592 : memref<128x128xf32, #tpu.memory_space<vmem>>)
    %dma_start3A_599 = arith.constant 0 : i32
    %dma_start3A_600 = arith.constant 0 : i32
    %dma_start3A_601 = arith.constant 0 : i32
    %dma_start3A_602 = arith.constant 0 : i32
    %dma_start3A_603 = tpu.memref_slice %arg6[%dma_start3A_599, %dma_start3A_601, %dma_start3A_602] : memref<4x128x128xf32, #tpu.memory_space<vmem>> -> memref<1x128x128xf32, #tpu.memory_space<vmem>>
    %dma_start3A_604 = tpu.memref_squeeze %dma_start3A_603 : memref<1x128x128xf32, #tpu.memory_space<vmem>> -> memref<128x128xf32, #tpu.memory_space<vmem>>
    %dma_start3A_605 = arith.constant 0 : i32
    %dma_start3A_606 = arith.constant 0 : i32
    %dma_start3A_607 = tpu.memref_slice %arg4[%add3A, %dma_start3A_600, %dma_start3A_605, %dma_start3A_606] : memref<32x4x128x128xf32, #tpu.memory_space<hbm>> -> memref<1x1x128x128xf32, #tpu.memory_space<hbm>>
    %dma_start3A_608 = tpu.memref_squeeze %dma_start3A_607 : memref<1x1x128x128xf32, #tpu.memory_space<hbm>> -> memref<128x128xf32, #tpu.memory_space<hbm>>
    %dma_start3A_609 = arith.constant 0 : i32
    %dma_start3A_610 = arith.constant 0 : i32
    %dma_start3A_611 = tpu.memref_slice %arg4[%add3A, %dma_start3A_600, %dma_start3A_609, %dma_start3A_610] : memref<32x4x128x128xf32, #tpu.memory_space<hbm>> -> memref<1x1x128x128xf32, #tpu.memory_space<hbm>>
    %dma_start3A_612 = tpu.memref_squeeze %dma_start3A_611 : memref<1x1x128x128xf32, #tpu.memory_space<hbm>> -> memref<128x128xf32, #tpu.memory_space<hbm>>
    %dma_start3A_613 = arith.constant 0 : i32
    %dma_start3A_614 = arith.constant 0 : i32
    %dma_start3A_615 = tpu.memref_slice %arg6[%dma_start3A_599, %dma_start3A_613, %dma_start3A_614] : memref<4x128x128xf32, #tpu.memory_space<vmem>> -> memref<1x128x128xf32, #tpu.memory_space<vmem>>
    %dma_start3A_616 = tpu.memref_squeeze %dma_start3A_615 : memref<1x128x128xf32, #tpu.memory_space<vmem>> -> memref<128x128xf32, #tpu.memory_space<vmem>>
    tpu.enqueue_dma source(%dma_start3A_616 : memref<128x128xf32, #tpu.memory_space<vmem>>) target(%dma_start3A_612 : memref<128x128xf32, #tpu.memory_space<hbm>>) target_semaphore(%arg8 : memref<!tpu.dma_semaphore, #tpu.memory_space<semaphore_mem>>)
    %dma_wait3A_617 = arith.constant 1 : i32
    %dma_wait3A_618 = arith.constant 1 : i32
    %dma_wait3A_619 = arith.constant 0 : i32
    %dma_wait3A_620 = arith.constant 0 : i32
    %dma_wait3A_621 = tpu.memref_slice %arg6[%dma_wait3A_618, %dma_wait3A_619, %dma_wait3A_620] : memref<4x128x128xf32, #tpu.memory_space<vmem>> -> memref<1x128x128xf32, #tpu.memory_space<vmem>>
    %dma_wait3A_622 = tpu.memref_squeeze %dma_wait3A_621 : memref<1x128x128xf32, #tpu.memory_space<vmem>> -> memref<128x128xf32, #tpu.memory_space<vmem>>
    %dma_wait3A_623 = arith.constant 0 : i32
    %dma_wait3A_624 = tpu.memref_slice %arg5[%dma_wait3A_617, %dma_wait3A_623] : memref<4x128xi32, #tpu.memory_space<vmem>> -> memref<1x128xi32, #tpu.memory_space<vmem>>
    %dma_wait3A_625 = tpu.memref_squeeze %dma_wait3A_624 : memref<1x128xi32, #tpu.memory_space<vmem>> -> memref<128xi32, #tpu.memory_space<vmem>>
    %dma_wait3A_626 = arith.constant 0 : i32
    %dma_wait3A_627 = arith.constant 0 : i32
    %dma_wait3A_628 = tpu.memref_slice %arg3[%dma_wait3A_626, %dma_wait3A_627] : memref<8192x128xf32, #tpu.memory_space<hbm>> -> memref<8192x128xf32, #tpu.memory_space<hbm>>
    tpu.wait_indirect_dma semaphore(%arg7 : memref<!tpu.dma_semaphore, #tpu.memory_space<semaphore_mem>>) src(%dma_wait3A_628 : memref<8192x128xf32, #tpu.memory_space<hbm>>) dst(%dma_wait3A_622 : memref<128x128xf32, #tpu.memory_space<vmem>>)
    %dma_start3A_629 = arith.constant 1 : i32
    %dma_start3A_630 = arith.constant 1 : i32
    %dma_start3A_631 = arith.constant 0 : i32
    %dma_start3A_632 = arith.constant 0 : i32
    %dma_start3A_633 = tpu.memref_slice %arg6[%dma_start3A_629, %dma_start3A_631, %dma_start3A_632] : memref<4x128x128xf32, #tpu.memory_space<vmem>> -> memref<1x128x128xf32, #tpu.memory_space<vmem>>
    %dma_start3A_634 = tpu.memref_squeeze %dma_start3A_633 : memref<1x128x128xf32, #tpu.memory_space<vmem>> -> memref<128x128xf32, #tpu.memory_space<vmem>>
    %dma_start3A_635 = arith.constant 0 : i32
    %dma_start3A_636 = arith.constant 0 : i32
    %dma_start3A_637 = tpu.memref_slice %arg4[%add3A, %dma_start3A_630, %dma_start3A_635, %dma_start3A_636] : memref<32x4x128x128xf32, #tpu.memory_space<hbm>> -> memref<1x1x128x128xf32, #tpu.memory_space<hbm>>
    %dma_start3A_638 = tpu.memref_squeeze %dma_start3A_637 : memref<1x1x128x128xf32, #tpu.memory_space<hbm>> -> memref<128x128xf32, #tpu.memory_space<hbm>>
    %dma_start3A_639 = arith.constant 0 : i32
    %dma_start3A_640 = arith.constant 0 : i32
    %dma_start3A_641 = tpu.memref_slice %arg4[%add3A, %dma_start3A_630, %dma_start3A_639, %dma_start3A_640] : memref<32x4x128x128xf32, #tpu.memory_space<hbm>> -> memref<1x1x128x128xf32, #tpu.memory_space<hbm>>
    %dma_start3A_642 = tpu.memref_squeeze %dma_start3A_641 : memref<1x1x128x128xf32, #tpu.memory_space<hbm>> -> memref<128x128xf32, #tpu.memory_space<hbm>>
    %dma_start3A_643 = arith.constant 0 : i32
    %dma_start3A_644 = arith.constant 0 : i32
    %dma_start3A_645 = tpu.memref_slice %arg6[%dma_start3A_629, %dma_start3A_643, %dma_start3A_644] : memref<4x128x128xf32, #tpu.memory_space<vmem>> -> memref<1x128x128xf32, #tpu.memory_space<vmem>>
    %dma_start3A_646 = tpu.memref_squeeze %dma_start3A_645 : memref<1x128x128xf32, #tpu.memory_space<vmem>> -> memref<128x128xf32, #tpu.memory_space<vmem>>
    tpu.enqueue_dma source(%dma_start3A_646 : memref<128x128xf32, #tpu.memory_space<vmem>>) target(%dma_start3A_642 : memref<128x128xf32, #tpu.memory_space<hbm>>) target_semaphore(%arg8 : memref<!tpu.dma_semaphore, #tpu.memory_space<semaphore_mem>>)
    %dma_wait3A_647 = arith.constant 2 : i32
    %dma_wait3A_648 = arith.constant 2 : i32
    %dma_wait3A_649 = arith.constant 0 : i32
    %dma_wait3A_650 = arith.constant 0 : i32
    %dma_wait3A_651 = tpu.memref_slice %arg6[%dma_wait3A_648, %dma_wait3A_649, %dma_wait3A_650] : memref<4x128x128xf32, #tpu.memory_space<vmem>> -> memref<1x128x128xf32, #tpu.memory_space<vmem>>
    %dma_wait3A_652 = tpu.memref_squeeze %dma_wait3A_651 : memref<1x128x128xf32, #tpu.memory_space<vmem>> -> memref<128x128xf32, #tpu.memory_space<vmem>>
    %dma_wait3A_653 = arith.constant 0 : i32
    %dma_wait3A_654 = tpu.memref_slice %arg5[%dma_wait3A_647, %dma_wait3A_653] : memref<4x128xi32, #tpu.memory_space<vmem>> -> memref<1x128xi32, #tpu.memory_space<vmem>>
    %dma_wait3A_655 = tpu.memref_squeeze %dma_wait3A_654 : memref<1x128xi32, #tpu.memory_space<vmem>> -> memref<128xi32, #tpu.memory_space<vmem>>
    %dma_wait3A_656 = arith.constant 0 : i32
    %dma_wait3A_657 = arith.constant 0 : i32
    %dma_wait3A_658 = tpu.memref_slice %arg3[%dma_wait3A_656, %dma_wait3A_657] : memref<8192x128xf32, #tpu.memory_space<hbm>> -> memref<8192x128xf32, #tpu.memory_space<hbm>>
    tpu.wait_indirect_dma semaphore(%arg7 : memref<!tpu.dma_semaphore, #tpu.memory_space<semaphore_mem>>) src(%dma_wait3A_658 : memref<8192x128xf32, #tpu.memory_space<hbm>>) dst(%dma_wait3A_652 : memref<128x128xf32, #tpu.memory_space<vmem>>)
    %dma_start3A_659 = arith.constant 2 : i32
    %dma_start3A_660 = arith.constant 2 : i32
    %dma_start3A_661 = arith.constant 0 : i32
    %dma_start3A_662 = arith.constant 0 : i32
    %dma_start3A_663 = tpu.memref_slice %arg6[%dma_start3A_659, %dma_start3A_661, %dma_start3A_662] : memref<4x128x128xf32, #tpu.memory_space<vmem>> -> memref<1x128x128xf32, #tpu.memory_space<vmem>>
    %dma_start3A_664 = tpu.memref_squeeze %dma_start3A_663 : memref<1x128x128xf32, #tpu.memory_space<vmem>> -> memref<128x128xf32, #tpu.memory_space<vmem>>
    %dma_start3A_665 = arith.constant 0 : i32
    %dma_start3A_666 = arith.constant 0 : i32
    %dma_start3A_667 = tpu.memref_slice %arg4[%add3A, %dma_start3A_660, %dma_start3A_665, %dma_start3A_666] : memref<32x4x128x128xf32, #tpu.memory_space<hbm>> -> memref<1x1x128x128xf32, #tpu.memory_space<hbm>>
    %dma_start3A_668 = tpu.memref_squeeze %dma_start3A_667 : memref<1x1x128x128xf32, #tpu.memory_space<hbm>> -> memref<128x128xf32, #tpu.memory_space<hbm>>
    %dma_start3A_669 = arith.constant 0 : i32
    %dma_start3A_670 = arith.constant 0 : i32
    %dma_start3A_671 = tpu.memref_slice %arg4[%add3A, %dma_start3A_660, %dma_start3A_669, %dma_start3A_670] : memref<32x4x128x128xf32, #tpu.memory_space<hbm>> -> memref<1x1x128x128xf32, #tpu.memory_space<hbm>>
    %dma_start3A_672 = tpu.memref_squeeze %dma_start3A_671 : memref<1x1x128x128xf32, #tpu.memory_space<hbm>> -> memref<128x128xf32, #tpu.memory_space<hbm>>
    %dma_start3A_673 = arith.constant 0 : i32
    %dma_start3A_674 = arith.constant 0 : i32
    %dma_start3A_675 = tpu.memref_slice %arg6[%dma_start3A_659, %dma_start3A_673, %dma_start3A_674] : memref<4x128x128xf32, #tpu.memory_space<vmem>> -> memref<1x128x128xf32, #tpu.memory_space<vmem>>
    %dma_start3A_676 = tpu.memref_squeeze %dma_start3A_675 : memref<1x128x128xf32, #tpu.memory_space<vmem>> -> memref<128x128xf32, #tpu.memory_space<vmem>>
    tpu.enqueue_dma source(%dma_start3A_676 : memref<128x128xf32, #tpu.memory_space<vmem>>) target(%dma_start3A_672 : memref<128x128xf32, #tpu.memory_space<hbm>>) target_semaphore(%arg8 : memref<!tpu.dma_semaphore, #tpu.memory_space<semaphore_mem>>)
    %dma_wait3A_677 = arith.constant 3 : i32
    %dma_wait3A_678 = arith.constant 3 : i32
    %dma_wait3A_679 = arith.constant 0 : i32
    %dma_wait3A_680 = arith.constant 0 : i32
    %dma_wait3A_681 = tpu.memref_slice %arg6[%dma_wait3A_678, %dma_wait3A_679, %dma_wait3A_680] : memref<4x128x128xf32, #tpu.memory_space<vmem>> -> memref<1x128x128xf32, #tpu.memory_space<vmem>>
    %dma_wait3A_682 = tpu.memref_squeeze %dma_wait3A_681 : memref<1x128x128xf32, #tpu.memory_space<vmem>> -> memref<128x128xf32, #tpu.memory_space<vmem>>
    %dma_wait3A_683 = arith.constant 0 : i32
    %dma_wait3A_684 = tpu.memref_slice %arg5[%dma_wait3A_677, %dma_wait3A_683] : memref<4x128xi32, #tpu.memory_space<vmem>> -> memref<1x128xi32, #tpu.memory_space<vmem>>
    %dma_wait3A_685 = tpu.memref_squeeze %dma_wait3A_684 : memref<1x128xi32, #tpu.memory_space<vmem>> -> memref<128xi32, #tpu.memory_space<vmem>>
    %dma_wait3A_686 = arith.constant 0 : i32
    %dma_wait3A_687 = arith.constant 0 : i32
    %dma_wait3A_688 = tpu.memref_slice %arg3[%dma_wait3A_686, %dma_wait3A_687] : memref<8192x128xf32, #tpu.memory_space<hbm>> -> memref<8192x128xf32, #tpu.memory_space<hbm>>
    tpu.wait_indirect_dma semaphore(%arg7 : memref<!tpu.dma_semaphore, #tpu.memory_space<semaphore_mem>>) src(%dma_wait3A_688 : memref<8192x128xf32, #tpu.memory_space<hbm>>) dst(%dma_wait3A_682 : memref<128x128xf32, #tpu.memory_space<vmem>>)
    %dma_start3A_689 = arith.constant 3 : i32
    %dma_start3A_690 = arith.constant 3 : i32
    %dma_start3A_691 = arith.constant 0 : i32
    %dma_start3A_692 = arith.constant 0 : i32
    %dma_start3A_693 = tpu.memref_slice %arg6[%dma_start3A_689, %dma_start3A_691, %dma_start3A_692] : memref<4x128x128xf32, #tpu.memory_space<vmem>> -> memref<1x128x128xf32, #tpu.memory_space<vmem>>
    %dma_start3A_694 = tpu.memref_squeeze %dma_start3A_693 : memref<1x128x128xf32, #tpu.memory_space<vmem>> -> memref<128x128xf32, #tpu.memory_space<vmem>>
    %dma_start3A_695 = arith.constant 0 : i32
    %dma_start3A_696 = arith.constant 0 : i32
    %dma_start3A_697 = tpu.memref_slice %arg4[%add3A, %dma_start3A_690, %dma_start3A_695, %dma_start3A_696] : memref<32x4x128x128xf32, #tpu.memory_space<hbm>> -> memref<1x1x128x128xf32, #tpu.memory_space<hbm>>
    %dma_start3A_698 = tpu.memref_squeeze %dma_start3A_697 : memref<1x1x128x128xf32, #tpu.memory_space<hbm>> -> memref<128x128xf32, #tpu.memory_space<hbm>>
    %dma_start3A_699 = arith.constant 0 : i32
    %dma_start3A_700 = arith.constant 0 : i32
    %dma_start3A_701 = tpu.memref_slice %arg4[%add3A, %dma_start3A_690, %dma_start3A_699, %dma_start3A_700] : memref<32x4x128x128xf32, #tpu.memory_space<hbm>> -> memref<1x1x128x128xf32, #tpu.memory_space<hbm>>
    %dma_start3A_702 = tpu.memref_squeeze %dma_start3A_701 : memref<1x1x128x128xf32, #tpu.memory_space<hbm>> -> memref<128x128xf32, #tpu.memory_space<hbm>>
    %dma_start3A_703 = arith.constant 0 : i32
    %dma_start3A_704 = arith.constant 0 : i32
    %dma_start3A_705 = tpu.memref_slice %arg6[%dma_start3A_689, %dma_start3A_703, %dma_start3A_704] : memref<4x128x128xf32, #tpu.memory_space<vmem>> -> memref<1x128x128xf32, #tpu.memory_space<vmem>>
    %dma_start3A_706 = tpu.memref_squeeze %dma_start3A_705 : memref<1x128x128xf32, #tpu.memory_space<vmem>> -> memref<128x128xf32, #tpu.memory_space<vmem>>
    tpu.enqueue_dma source(%dma_start3A_706 : memref<128x128xf32, #tpu.memory_space<vmem>>) target(%dma_start3A_702 : memref<128x128xf32, #tpu.memory_space<hbm>>) target_semaphore(%arg8 : memref<!tpu.dma_semaphore, #tpu.memory_space<semaphore_mem>>)
    %dma_wait3A_707 = arith.constant 0 : i32
    %dma_wait3A_708 = arith.constant 0 : i32
    %dma_wait3A_709 = arith.constant 0 : i32
    %dma_wait3A_710 = arith.constant 0 : i32
    %dma_wait3A_711 = tpu.memref_slice %arg6[%dma_wait3A_707, %dma_wait3A_709, %dma_wait3A_710] : memref<4x128x128xf32, #tpu.memory_space<vmem>> -> memref<1x128x128xf32, #tpu.memory_space<vmem>>
    %dma_wait3A_712 = tpu.memref_squeeze %dma_wait3A_711 : memref<1x128x128xf32, #tpu.memory_space<vmem>> -> memref<128x128xf32, #tpu.memory_space<vmem>>
    %dma_wait3A_713 = arith.constant 0 : i32
    %dma_wait3A_714 = arith.constant 0 : i32
    %dma_wait3A_715 = tpu.memref_slice %arg4[%add3A, %dma_wait3A_708, %dma_wait3A_713, %dma_wait3A_714] : memref<32x4x128x128xf32, #tpu.memory_space<hbm>> -> memref<1x1x128x128xf32, #tpu.memory_space<hbm>>
    %dma_wait3A_716 = tpu.memref_squeeze %dma_wait3A_715 : memref<1x1x128x128xf32, #tpu.memory_space<hbm>> -> memref<128x128xf32, #tpu.memory_space<hbm>>
    %dma_wait3A_717 = arith.constant 0 : i32
    %dma_wait3A_718 = arith.constant 0 : i32
    %dma_wait3A_719 = tpu.memref_slice %arg4[%add3A, %dma_wait3A_708, %dma_wait3A_717, %dma_wait3A_718] : memref<32x4x128x128xf32, #tpu.memory_space<hbm>> -> memref<1x1x128x128xf32, #tpu.memory_space<hbm>>
    %dma_wait3A_720 = tpu.memref_squeeze %dma_wait3A_719 : memref<1x1x128x128xf32, #tpu.memory_space<hbm>> -> memref<128x128xf32, #tpu.memory_space<hbm>>
    %dma_wait3A_721 = arith.constant 0 : i32
    %dma_wait3A_722 = arith.constant 0 : i32
    %dma_wait3A_723 = tpu.memref_slice %arg6[%dma_wait3A_707, %dma_wait3A_721, %dma_wait3A_722] : memref<4x128x128xf32, #tpu.memory_space<vmem>> -> memref<1x128x128xf32, #tpu.memory_space<vmem>>
    %dma_wait3A_724 = tpu.memref_squeeze %dma_wait3A_723 : memref<1x128x128xf32, #tpu.memory_space<vmem>> -> memref<128x128xf32, #tpu.memory_space<vmem>>
    tpu.wait_dma2 semaphore(%arg8 : memref<!tpu.dma_semaphore, #tpu.memory_space<semaphore_mem>>) src(%dma_wait3A_724 : memref<128x128xf32, #tpu.memory_space<vmem>>) dst(%dma_wait3A_720 : memref<128x128xf32, #tpu.memory_space<hbm>>)
    %dma_wait3A_725 = arith.constant 1 : i32
    %dma_wait3A_726 = arith.constant 1 : i32
    %dma_wait3A_727 = arith.constant 0 : i32
    %dma_wait3A_728 = arith.constant 0 : i32
    %dma_wait3A_729 = tpu.memref_slice %arg6[%dma_wait3A_725, %dma_wait3A_727, %dma_wait3A_728] : memref<4x128x128xf32, #tpu.memory_space<vmem>> -> memref<1x128x128xf32, #tpu.memory_space<vmem>>
    %dma_wait3A_730 = tpu.memref_squeeze %dma_wait3A_729 : memref<1x128x128xf32, #tpu.memory_space<vmem>> -> memref<128x128xf32, #tpu.memory_space<vmem>>
    %dma_wait3A_731 = arith.constant 0 : i32
    %dma_wait3A_732 = arith.constant 0 : i32
    %dma_wait3A_733 = tpu.memref_slice %arg4[%add3A, %dma_wait3A_726, %dma_wait3A_731, %dma_wait3A_732] : memref<32x4x128x128xf32, #tpu.memory_space<hbm>> -> memref<1x1x128x128xf32, #tpu.memory_space<hbm>>
    %dma_wait3A_734 = tpu.memref_squeeze %dma_wait3A_733 : memref<1x1x128x128xf32, #tpu.memory_space<hbm>> -> memref<128x128xf32, #tpu.memory_space<hbm>>
    %dma_wait3A_735 = arith.constant 0 : i32
    %dma_wait3A_736 = arith.constant 0 : i32
    %dma_wait3A_737 = tpu.memref_slice %arg4[%add3A, %dma_wait3A_726, %dma_wait3A_735, %dma_wait3A_736] : memref<32x4x128x128xf32, #tpu.memory_space<hbm>> -> memref<1x1x128x128xf32, #tpu.memory_space<hbm>>
    %dma_wait3A_738 = tpu.memref_squeeze %dma_wait3A_737 : memref<1x1x128x128xf32, #tpu.memory_space<hbm>> -> memref<128x128xf32, #tpu.memory_space<hbm>>
    %dma_wait3A_739 = arith.constant 0 : i32
    %dma_wait3A_740 = arith.constant 0 : i32
    %dma_wait3A_741 = tpu.memref_slice %arg6[%dma_wait3A_725, %dma_wait3A_739, %dma_wait3A_740] : memref<4x128x128xf32, #tpu.memory_space<vmem>> -> memref<1x128x128xf32, #tpu.memory_space<vmem>>
    %dma_wait3A_742 = tpu.memref_squeeze %dma_wait3A_741 : memref<1x128x128xf32, #tpu.memory_space<vmem>> -> memref<128x128xf32, #tpu.memory_space<vmem>>
    tpu.wait_dma2 semaphore(%arg8 : memref<!tpu.dma_semaphore, #tpu.memory_space<semaphore_mem>>) src(%dma_wait3A_742 : memref<128x128xf32, #tpu.memory_space<vmem>>) dst(%dma_wait3A_738 : memref<128x128xf32, #tpu.memory_space<hbm>>)
    %dma_wait3A_743 = arith.constant 2 : i32
    %dma_wait3A_744 = arith.constant 2 : i32
    %dma_wait3A_745 = arith.constant 0 : i32
    %dma_wait3A_746 = arith.constant 0 : i32
    %dma_wait3A_747 = tpu.memref_slice %arg6[%dma_wait3A_743, %dma_wait3A_745, %dma_wait3A_746] : memref<4x128x128xf32, #tpu.memory_space<vmem>> -> memref<1x128x128xf32, #tpu.memory_space<vmem>>
    %dma_wait3A_748 = tpu.memref_squeeze %dma_wait3A_747 : memref<1x128x128xf32, #tpu.memory_space<vmem>> -> memref<128x128xf32, #tpu.memory_space<vmem>>
    %dma_wait3A_749 = arith.constant 0 : i32
    %dma_wait3A_750 = arith.constant 0 : i32
    %dma_wait3A_751 = tpu.memref_slice %arg4[%add3A, %dma_wait3A_744, %dma_wait3A_749, %dma_wait3A_750] : memref<32x4x128x128xf32, #tpu.memory_space<hbm>> -> memref<1x1x128x128xf32, #tpu.memory_space<hbm>>
    %dma_wait3A_752 = tpu.memref_squeeze %dma_wait3A_751 : memref<1x1x128x128xf32, #tpu.memory_space<hbm>> -> memref<128x128xf32, #tpu.memory_space<hbm>>
    %dma_wait3A_753 = arith.constant 0 : i32
    %dma_wait3A_754 = arith.constant 0 : i32
    %dma_wait3A_755 = tpu.memref_slice %arg4[%add3A, %dma_wait3A_744, %dma_wait3A_753, %dma_wait3A_754] : memref<32x4x128x128xf32, #tpu.memory_space<hbm>> -> memref<1x1x128x128xf32, #tpu.memory_space<hbm>>
    %dma_wait3A_756 = tpu.memref_squeeze %dma_wait3A_755 : memref<1x1x128x128xf32, #tpu.memory_space<hbm>> -> memref<128x128xf32, #tpu.memory_space<hbm>>
    %dma_wait3A_757 = arith.constant 0 : i32
    %dma_wait3A_758 = arith.constant 0 : i32
    %dma_wait3A_759 = tpu.memref_slice %arg6[%dma_wait3A_743, %dma_wait3A_757, %dma_wait3A_758] : memref<4x128x128xf32, #tpu.memory_space<vmem>> -> memref<1x128x128xf32, #tpu.memory_space<vmem>>
    %dma_wait3A_760 = tpu.memref_squeeze %dma_wait3A_759 : memref<1x128x128xf32, #tpu.memory_space<vmem>> -> memref<128x128xf32, #tpu.memory_space<vmem>>
    tpu.wait_dma2 semaphore(%arg8 : memref<!tpu.dma_semaphore, #tpu.memory_space<semaphore_mem>>) src(%dma_wait3A_760 : memref<128x128xf32, #tpu.memory_space<vmem>>) dst(%dma_wait3A_756 : memref<128x128xf32, #tpu.memory_space<hbm>>)
    %dma_wait3A_761 = arith.constant 3 : i32
    %dma_wait3A_762 = arith.constant 3 : i32
    %dma_wait3A_763 = arith.constant 0 : i32
    %dma_wait3A_764 = arith.constant 0 : i32
    %dma_wait3A_765 = tpu.memref_slice %arg6[%dma_wait3A_761, %dma_wait3A_763, %dma_wait3A_764] : memref<4x128x128xf32, #tpu.memory_space<vmem>> -> memref<1x128x128xf32, #tpu.memory_space<vmem>>
    %dma_wait3A_766 = tpu.memref_squeeze %dma_wait3A_765 : memref<1x128x128xf32, #tpu.memory_space<vmem>> -> memref<128x128xf32, #tpu.memory_space<vmem>>
    %dma_wait3A_767 = arith.constant 0 : i32
    %dma_wait3A_768 = arith.constant 0 : i32
    %dma_wait3A_769 = tpu.memref_slice %arg4[%add3A, %dma_wait3A_762, %dma_wait3A_767, %dma_wait3A_768] : memref<32x4x128x128xf32, #tpu.memory_space<hbm>> -> memref<1x1x128x128xf32, #tpu.memory_space<hbm>>
    %dma_wait3A_770 = tpu.memref_squeeze %dma_wait3A_769 : memref<1x1x128x128xf32, #tpu.memory_space<hbm>> -> memref<128x128xf32, #tpu.memory_space<hbm>>
    %dma_wait3A_771 = arith.constant 0 : i32
    %dma_wait3A_772 = arith.constant 0 : i32
    %dma_wait3A_773 = tpu.memref_slice %arg4[%add3A, %dma_wait3A_762, %dma_wait3A_771, %dma_wait3A_772] : memref<32x4x128x128xf32, #tpu.memory_space<hbm>> -> memref<1x1x128x128xf32, #tpu.memory_space<hbm>>
    %dma_wait3A_774 = tpu.memref_squeeze %dma_wait3A_773 : memref<1x1x128x128xf32, #tpu.memory_space<hbm>> -> memref<128x128xf32, #tpu.memory_space<hbm>>
    %dma_wait3A_775 = arith.constant 0 : i32
    %dma_wait3A_776 = arith.constant 0 : i32
    %dma_wait3A_777 = tpu.memref_slice %arg6[%dma_wait3A_761, %dma_wait3A_775, %dma_wait3A_776] : memref<4x128x128xf32, #tpu.memory_space<vmem>> -> memref<1x128x128xf32, #tpu.memory_space<vmem>>
    %dma_wait3A_778 = tpu.memref_squeeze %dma_wait3A_777 : memref<1x128x128xf32, #tpu.memory_space<vmem>> -> memref<128x128xf32, #tpu.memory_space<vmem>>
    tpu.wait_dma2 semaphore(%arg8 : memref<!tpu.dma_semaphore, #tpu.memory_space<semaphore_mem>>) src(%dma_wait3A_778 : memref<128x128xf32, #tpu.memory_space<vmem>>) dst(%dma_wait3A_774 : memref<128x128xf32, #tpu.memory_space<hbm>>)
    return
  }
}

</mosaic_0001>

<sc_bundles>
// kernel: kernel.3.cloned.1.call-start
scs
__scs_entry_jumppad:
0x0: {  	(pc) =	sbr.rel $0x88, $3  }
0x1: {  	(tag) =	ssettag $0x0;
	lr =	simm.s32 $0x1  }
0x2: {  	[smem:$0x3F9F] =	sst lr;
	_ =	strace $0xD0000000  }
0x3: {  	_ = 	snop  }
0x4: {  	_ = 	snop  }
0x5: {  	_ = 	snop  }
0x6: {  	_ = 	snop  }
0x7: {  	_ = 	snop  }
__scs_overlays_trampoline_lowered:
0x8: {  	[smem:$0x3FAE] =	sst s0  }
0x9: {  	[smem:$0x3FAF] =	sst s1  }
0xa: {  	[smem:$0x3FB0] =	sst s2  }
0xb: {  	[smem:$0x3FB1] =	sst s3  }
0xc: {  	[smem:$0x3FB2] =	sst s4  }
0xd: {  	[smem:$0x3FB3] =	sst s5  }
0xe: {  	[smem:$0x3FB4] =	sst s6  }
0xf: {  	[smem:$0x3FB5] =	sst s7  }
0x10: {  	[smem:$0x3FB6] =	sst s8  }
0x11: {  	[smem:$0x3FB7] =	sst s9;
	s0 =	simm.s32 @!p0 $0x0  }
0x12: {  	s1 =	sld [smem:$0x3F9D];
	s0 =	simm.s32 @p0 $0x1  }
0x13: {  	[smem:$0x3FB8] =	sst s0;
	s0 =	simm.s32 @!p1 $0x0  }
0x14: {  	s2 =	sld [smem:$0x3F9C];
	s0 =	simm.s32 @p1 $0x1  }
0x15: {  	[smem:$0x3FB9] =	sst s0;
	s0 =	simm.s32 @!p2 $0x0  }
0x16: {  	s3 =	sld [smem:$0x3FDB];
	s0 =	simm.s32 @p2 $0x1  }
0x17: {  	s4 =	simm.s32 $0x1BF5;
	[smem:$0x3FBB] =	sst s0  }
0x18: {  	s0 =	sld [smem:$0x3F9E];
	_ =	swait.ge [sflag:s4], $0x0  }
0x19: {  	s7 =	sld [smem:$0x3F9F]  }
0x1a: {  	s8 =	sadd.s32 $0xFFFFE003, lr  }
0x1b: {  	s9 =	sadd.s32 $0xFFFFFEF7, lr;
	s5 =	simm.s32 $0xFFFFFFFF;
	p2 =	slt.u32 s8, $0xFFFFF086  }
0x1c: {  	p1 =	slt.u32 s9, $0xF7A;
	s5 =	simm.s32 @!p2 $0x0  }
0x1d: {  	s5 =	simm.s32 @p1 $0x1;
	p0 =	seq.s32 s7, s2  }
0x1e: {  	s7 =	smul.u32 @!p0 $0xF7A, s2;
	p2 =	seq.s32 @!p0 s5, $0x0  }
0x1f: {  	s9 =	smul.u32 $0xF7A, s1;
	s8 =	simm.s32 @!p0 $0x1BF5;
	p2 =	por !p2, p0  }
0x20: {  	[sflag:s8] =	ssyncset.s32 @!p0 $0xFFFFF086;
	s6 =	sadd.s32 @!p0 s3, s7;
	s7 =	simm.s32 @!p0 $0x108  }
0x21: {  	s3 =	sadd.s32 s3, s9;
	s6 =	sadd.s32 @!p0 $0x88, s6;
	s7 =	simm.s32 @p2 $0x1082  }
0x22: {  	[simem:s7], [sflag:s8] =	dma.local @!p0 [hbm:s6], $0xF7A  }
0x23: {  	s9 =	sor.u32 $0xD0000000, s2;
	s6 =	simm.s32 $0x108;
	_ =	swait.ge @!p0 [sflag:s8], $0x0  }
0x24: {  	s3 =	sadd.s32 $0x88, s3;
	s6 =	simm.s32 @!p1 $0x1082;
	[sflag:s4] =	ssyncset.s32 $0xFFFFF086  }
0x25: {  	[simem:s6], [sflag:s4] =	dma.local [hbm:s3], $0xF7A  }
0x26: {  	[smem:$0x3F9F] =	sst s1;
	(tag) =	ssettag s2;
	_ =	strace s9  }
0x27: {  	s1 =	sld [smem:$0x3FAF]  }
0x28: {  	s2 =	sld [smem:$0x3FB0]  }
0x29: {  	s4 =	sld [smem:$0x3FB2]  }
0x2a: {  	p0 =	seq.s32 s5, $0x0;
	s5 =	sld [smem:$0x3FB3]  }
0x2b: {  	s6 =	sld [smem:$0x3FB4]  }
0x2c: {  	s7 =	sld [smem:$0x3FB5]  }
0x2d: {  	s3 =	simm.s32 $0x108;
	s8 =	sld [smem:$0x3FB6]  }
0x2e: {  	s3 =	simm.s32 @!p0 $0x1082;
	s9 =	sld [smem:$0x3FB7]  }
0x2f: {  	lr =	sadd.s32 s0, s3;
	s0 =	sld [smem:$0x3FAE]  }
0x30: {  	s3 =	sld [smem:$0x3FB1]  }
0x31: {  	[smem:$0x3FBA] =	sst s10  }
0x32: {  	s10 =	sld [smem:$0x3FB8];
	_ =	sdelay $0x3  }
0x33: {  	p0 =	seq.s32 s10, $0x1;
	s10 =	sld [smem:$0x3FBA];
	_ =	sdelay $0x3  }
0x34: {  	[smem:$0x3FBA] =	sst s10  }
0x35: {  	s10 =	sld [smem:$0x3FB9];
	_ =	sdelay $0x3  }
0x36: {  	p1 =	seq.s32 s10, $0x1;
	s10 =	sld [smem:$0x3FBA];
	_ =	sdelay $0x3  }
0x37: {  	[smem:$0x3FBA] =	sst s10  }
0x38: {  	s10 =	sld [smem:$0x3FBB]  }
0x39: {  	_ = 	snop;
	(pc) =	sbr.ind lr, $3  }
0x3a: {  	_ = 	snop  }
0x3b: {  	_ = 	snop  }
0x3c: {  	p2 =	seq.s32 s10, $0x1;
	s10 =	sld [smem:$0x3FBA]  }
0x3d: {  	_ =	shalt  }
0x3e: {  	_ =	shalt  }
0x3f: {  	_ =	shalt  }
0x40: {  	_ =	shalt  }
0x41: {  	_ =	shalt  }
0x42: {  	_ =	shalt  }
0x43: {  	_ =	shalt  }
0x44: {  	_ =	shalt  }
0x45: {  	_ =	shalt  }
0x46: {  	_ =	shalt  }
0x47: {  	_ =	shalt  }
0x48: {  	_ =	shalt  }
0x49: {  	_ =	shalt  }
0x4a: {  	_ =	shalt  }
0x4b: {  	_ =	shalt  }
0x4c: {  	_ =	shalt  }
0x4d: {  	_ =	shalt  }
0x4e: {  	_ =	shalt  }
0x4f: {  	_ =	shalt  }
0x50: {  	_ =	shalt  }
0x51: {  	_ =	shalt  }
0x52: {  	_ =	shalt  }
0x53: {  	_ =	shalt  }
0x54: {  	_ =	shalt  }
0x55: {  	_ =	shalt  }
0x56: {  	_ =	shalt  }
0x57: {  	_ =	shalt  }
0x58: {  	_ =	shalt  }
0x59: {  	_ =	shalt  }
0x5a: {  	_ =	shalt  }
0x5b: {  	_ =	shalt  }
0x5c: {  	_ =	shalt  }
0x5d: {  	_ =	shalt  }
0x5e: {  	_ =	shalt  }
0x5f: {  	_ =	shalt  }
0x60: {  	_ =	shalt  }
0x61: {  	_ =	shalt  }
0x62: {  	_ =	shalt  }
0x63: {  	_ =	shalt  }
0x64: {  	_ =	shalt  }
0x65: {  	_ =	shalt  }
0x66: {  	_ =	shalt  }
0x67: {  	_ =	shalt  }
0x68: {  	_ =	shalt  }
0x69: {  	_ =	shalt  }
0x6a: {  	_ =	shalt  }
0x6b: {  	_ =	shalt  }
0x6c: {  	_ =	shalt  }
0x6d: {  	_ =	shalt  }
0x6e: {  	_ =	shalt  }
0x6f: {  	_ =	shalt  }
0x70: {  	_ =	shalt  }
0x71: {  	_ =	shalt  }
0x72: {  	_ =	shalt  }
0x73: {  	_ =	shalt  }
0x74: {  	_ =	shalt  }
0x75: {  	_ =	shalt  }
0x76: {  	_ =	shalt  }
0x77: {  	_ =	shalt  }
0x78: {  	_ =	shalt  }
0x79: {  	_ =	shalt  }
0x7a: {  	_ =	shalt  }
0x7b: {  	_ =	shalt  }
0x7c: {  	_ =	shalt  }
0x7d: {  	_ =	shalt  }
0x7e: {  	_ =	shalt  }
0x7f: {  	_ =	shalt  }
0x80: {  	_ =	shalt  }
0x81: {  	_ =	shalt  }
0x82: {  	_ =	shalt  }
0x83: {  	_ =	shalt  }
0x84: {  	_ =	shalt  }
0x85: {  	_ =	shalt  }
0x86: {  	_ =	shalt  }
0x87: {  	_ =	shalt  }
.Lfunc_end0:
.L_simem_size_0:
called_computation_lowered:
.L_overlay_start_0:
0x88: {  	s2 =	sld [smem:$0x3FD9]  }
0x89: {  	s3 =	sld [smem:$0x3FFE];
	_ =	sdelay $0x1  }
0x8a: {  	s1 =	srdreg.scid  }
0x8b: {  	s0 =	sand.u32 $0x1, s1  }
0x8c: {  	s18 =	sshll.u32 s0, $0xA;
	s2 =	sadd.s32 s3, s2  }
0x8d: {  	s2 =	sadd.s32 s2, s18  }
0x8e: {  	[smem:$0x3FC6] =	sst s2  }
0x8f: {  	_ = 	snop  }
0x90: {  	s2 =	sld [smem:$0x3FC9]  }
0x91: {  	s19 =	sld [smem:$0x3FC8]  }
0x92: {  	s4 =	sld [smem:$0x3FD0];
	(tm) =	ssettm $0x1  }
0x93: {  	s5 =	sld [smem:$0x3FFB];
	_ =	sdelay $0x3  }
0x94: {  	_ =	strace s5  }
0x95: {  	s5 =	sld [smem:$0x3FFC];
	_ =	sdelay $0x3  }
0x96: {  	_ =	strace s5  }
0x97: {  	s5 =	sld [smem:$0x3FFD];
	_ =	sdelay $0x3  }
0x98: {  	_ =	strace s5  }
0x99: {  	_ =	strace $0x8FFFFFFF  }
0x9a: {  	s20 =	sld [smem:$0x3FDB];
	_ =	sdelay $0x1  }
0x9b: {  	s6 =	simm.s32 $_scs_section_size  }
0x9c: {  	s7 =	simm.s32 $_size__tile_overlayer_lowered;
	s8 =	simm.s32 $_tile_overlayer_lowered  }
0x9d: {  	s23 =	simm.s32 $0x1BFF;
	s22 =	sshll.u32 s8, $0x1;
	s5 =	sadd.s32 s6, s20  }
0x9e: {  	s9 =	simm.s32 $0x0;
	s21 =	sshll.u32 s7, $0x1;
	s7 =	sadd.s32 s22, s5  }
0x9f: {  	[timem:s9], [sflag:s23] =	dma.local [hbm:s7], s21  }
0xa0: {  	_ =	swait.ge [sflag:s23], s21  }
0xa1: {  	s6 =	ssub.s32 $0x0, s21;
	[sflag:s23] =	ssyncset.done $0x0  }
0xa2: {  	[sflag:s23] =	ssyncadd.s32 s6;
	_ =	sdelay $0x1  }
0xa3: {  	s24 =	simm.s32 $0x1B8B  }
0xa4: {  	_ =	swait.ge [sflag:s24], $0x1  }
0xa5: {  	[sflag:s24] =	ssyncset.done $0x0  }
0xa6: {  	s25 =	simm.s32 $0x1B8E;
	[sflag:s24] =	ssyncadd.s32 $0xFFFFFFFF  }
0xa7: {  	s26 =	simm.s32 $execute0_lowered;
	[smem:$0x3FD2] =	sst s25  }
0xa8: {  	s6 =	sshll.u32 s26, $0x1;
	_ =	strace $0x80000046;
	[dreg:$0x1] =	wrdreg $0xFFFFFFFF  }
0xa9: {  	s28 =	simm.s32 $_size_execute0_lowered;
	s5 =	sadd.s32 s5, s6;
	[dreg:$0x0] =	wrdreg $0x0  }
0xaa: {  	s6 =	sshll.u32 s28, $0x1;
	[dreg:$0x2] =	wrdreg s5  }
0xab: {  	[dreg:$0x3] =	wrdreg s6  }
0xac: {  	[dreg:$0x4] =	wrdreg $0xC0  }
0xad: {  	_ =	task [dreg:s9], $0x5FFFF  }
0xae: {  	[dreg:$0x1] =	wrdreg $0xFFFFFFFF  }
0xaf: {  	[dreg:$0x0] =	wrdreg $0x60  }
0xb0: {  	[dreg:$0x2] =	wrdreg s2  }
0xb1: {  	[dreg:$0x3] =	wrdreg s19  }
0xb2: {  	[dreg:$0x4] =	wrdreg s4  }
0xb3: {  	[dreg:$0x5] =	wrdreg $0x9  }
0xb4: {  	_ =	task.clear_ibuf [dreg:s9], $0x6FFFF;
	_ =	strace $0x90000046  }
0xb5: {  	s29 =	simm.s32 $0x9;
	_ =	strace $0x80000048  }
0xb6: {  	_ =	swait.ge [sflag:s29], $0x1  }
0xb7: {  	[sflag:s29] =	ssyncadd.s32 $0xFFFFFFFF  }
0xb8: {  	_ =	strace $0x90000048  }
0xb9: {  	_ =	sfence  }
0xba: {  	s30 =	sld [smem:$0x0];
	_ =	sdelay $0x2  }
0xbb: {  	s31 =	sshll.u32 s1, $0xD;
	s1 =	sshrl.u32 s1, $0x2  }
0xbc: {  	s3 =	sand.u32 $0x4000, s31;
	s1 =	sadd.s32 s1, s30  }
0xbd: {  	s0 =	sor.u32 s3, s0;
	s1 =	sshll.u32 s1, $0x11  }
0xbe: {  	s0 =	sor.u32 s1, s0  }
0xbf: {  	s0 =	sadd.s32 $0x8F2B, s0  }
0xc0: {  	[sflag:s0] =	ssyncadd.remote.s32 $0x1  }
0xc1: {  	_ =	sfence.sel $0xFFFF  }
0xc2: {  	[dreg:$0x0] =	wrdreg $0xFFFFFFFF;
	(pc) =	sbr.abs _section_cstart, $3  }
0xc3: {  	[dreg:$0x1] =	wrdreg $0xFFFFFFFF  }
0xc4: {  	_ =	task.clear_ibuf [dreg:s9], $0x2FFFF;
	_ =	strace $0x9FFFFFFF  }
0xc5: {  	(tm) =	ssettm $0x7FFFFFFF  }
tec
execute0_lowered:
.L_overlay_start_1:
0x0: {  	(tag) =	ssettag $0x1  }
0x1: {  	s4 =	rddreg [dreg:$0x0]  }
0x2: {  	s3 =	rddreg [dreg:$0x1]  }
0x3: {  	s1 =	srdreg.scid;
	s0 =	stileid.u32  }
0x4: {  	s6 =	rddreg [dreg:$0x2];
	s8 =	sand.u32 $0x1, s1;
	s5 =	sshll.u32 s0, $0x1  }
0x5: {  	s2 =	simm.s32 $0x0;
	s1 =	rddreg [dreg:$0x3];
	s7 =	sor.u32 s8, s5  }
0x6: {  	[smem:$0x7FF] =	sst s2;
	s5 =	sshll.u32 s7, $0x6  }
0x7: {  	_ =	strace $0x80000047;
	s4 =	sadd.s32 s4, s5;
	s5 =	simm.s32 $0x3  }
0x8: {  	[tilespmem:s2], [sflag:$0x3] =	stream.linear.gather [hbm4b:s4+s2], $0x200, $0x38;
	[tilespmem:$0x10200] =	vst v63  }
0x9: {  	_ =	swait.ge [sflag:s5], $0x200  }
0xa: {  	[sflag:s5] =	ssyncset.done $0x0  }
0xb: {  	[sflag:s5] =	ssyncadd.s32 $0xFFFFFE00  }
0xc: {  	v0 =	vld [tilespmem:$0x1F0]  }
0xd: {  	v1 =	vld [tilespmem:$0xB0]  }
0xe: {  	v2 =	vld [tilespmem:$0x1E0]  }
0xf: {  	v3 =	vld [tilespmem:$0x1D0]  }
0x10: {  	v4 =	vld [tilespmem:$0x1C0]  }
0x11: {  	v5 =	vld [tilespmem:$0x1A0]  }
0x12: {  	v6 =	vld [tilespmem:$0x190];
	v0 =	vadd.s32 $0xFFFFFFFF, v0  }
0x13: {  	v7 =	vld [tilespmem:$0x180];
	v1 =	vadd.s32 $0xFFFFFFFF, v1;
	v0 =	vand.u32 $0x1FFF, v0  }
0x14: {  	v33 =	vld [tilespmem:$0x160];
	v2 =	vadd.s32 $0xFFFFFFFF, v2;
	v1 =	vand.u32 $0x1FFF, v1;
	[tilespmem:$0x1F0] =	vst v0  }
0x15: {  	v45 =	vld [tilespmem:$0x1B0];
	v4 =	vadd.s32 $0xFFFFFFFF, v4;
	v2 =	vand.u32 $0x1FFF, v2;
	[tilespmem:$0xB0] =	vst v1  }
0x16: {  	v5 =	vadd.s32 $0xFFFFFFFF, v5;
	v4 =	vand.u32 $0x1FFF, v4;
	[tilespmem:$0x1E0] =	vst v2  }
0x17: {  	v31 =	vld [tilespmem:$0x170];
	v6 =	vadd.s32 $0xFFFFFFFF, v6;
	v5 =	vand.u32 $0x1FFF, v5;
	[tilespmem:$0x1C0] =	vst v4  }
0x18: {  	v34 =	vld [tilespmem:$0x150];
	v7 =	vadd.s32 $0xFFFFFFFF, v7;
	v6 =	vand.u32 $0x1FFF, v6;
	[tilespmem:$0x1A0] =	vst v5  }
0x19: {  	v36 =	vld [tilespmem:$0x130];
	v32 =	vadd.s32 $0xFFFFFFFF, v3;
	v3 =	vadd.s32 $0xFFFFFFFF, v33;
	v7 =	vand.u32 $0x1FFF, v7;
	[tilespmem:$0x190] =	vst v6  }
0x1a: {  	v37 =	vld [tilespmem:$0x120];
	v51 =	vadd.s32 $0xFFFFFFFF, v45;
	v3 =	vand.u32 $0x1FFF, v3;
	[tilespmem:$0x180] =	vst v7  }
0x1b: {  	v38 =	vld [tilespmem:$0x110];
	v53 =	vand.u32 $0x1FFF, v51;
	[tilespmem:$0x160] =	vst v3  }
0x1c: {  	v41 =	vld [tilespmem:$0xE0];
	v1 =	vand.u32 $0x1FFF, v32;
	v0 =	vadd.s32 $0xFFFFFFFF, v31;
	[tilespmem:$0x1B0] =	vst v53  }
0x1d: {  	v46 =	vld [tilespmem:$0xA0];
	v2 =	vadd.s32 $0xFFFFFFFF, v34;
	[tilespmem:$0x1D0] =	vst v1;
	v0 =	vand.u32 $0x1FFF, v0  }
0x1e: {  	v35 =	vld [tilespmem:$0x140];
	v4 =	vadd.s32 $0xFFFFFFFF, v36;
	v2 =	vand.u32 $0x1FFF, v2;
	[tilespmem:$0x170] =	vst v0  }
0x1f: {  	v39 =	vld [tilespmem:$0x100];
	v5 =	vadd.s32 $0xFFFFFFFF, v37;
	v4 =	vand.u32 $0x1FFF, v4;
	[tilespmem:$0x150] =	vst v2  }
0x20: {  	v40 =	vld [tilespmem:$0xF0];
	v6 =	vadd.s32 $0xFFFFFFFF, v38;
	v5 =	vand.u32 $0x1FFF, v5;
	[tilespmem:$0x130] =	vst v4  }
0x21: {  	v42 =	vld [tilespmem:$0xD0];
	v3 =	vadd.s32 $0xFFFFFFFF, v41;
	v6 =	vand.u32 $0x1FFF, v6;
	[tilespmem:$0x120] =	vst v5  }
0x22: {  	v47 =	vld [tilespmem:$0x90];
	v7 =	vadd.s32 $0xFFFFFFFF, v46;
	v3 =	vand.u32 $0x1FFF, v3;
	[tilespmem:$0x110] =	vst v6  }
0x23: {  	v50 =	vld [tilespmem:$0x60];
	v1 =	vadd.s32 $0xFFFFFFFF, v35;
	v7 =	vand.u32 $0x1FFF, v7;
	[tilespmem:$0xE0] =	vst v3  }
0x24: {  	v52 =	vld [tilespmem:$0x50];
	v44 =	vadd.s32 $0xFFFFFFFF, v39;
	v1 =	vand.u32 $0x1FFF, v1;
	[tilespmem:$0xA0] =	vst v7  }
0x25: {  	v43 =	vld [tilespmem:$0xC0];
	v0 =	vadd.s32 $0xFFFFFFFF, v40;
	v4 =	vand.u32 $0x1FFF, v44;
	[tilespmem:$0x140] =	vst v1  }
0x26: {  	v48 =	vld [tilespmem:$0x80];
	v2 =	vadd.s32 $0xFFFFFFFF, v42;
	v0 =	vand.u32 $0x1FFF, v0;
	[tilespmem:$0x100] =	vst v4  }
0x27: {  	v56 =	vld [tilespmem:$0x20];
	v6 =	vadd.s32 $0xFFFFFFFF, v47;
	v2 =	vand.u32 $0x1FFF, v2;
	[tilespmem:$0xF0] =	vst v0  }
0x28: {  	v49 =	vld [tilespmem:$0x70];
	v3 =	vadd.s32 $0xFFFFFFFF, v50;
	v6 =	vand.u32 $0x1FFF, v6;
	[tilespmem:$0xD0] =	vst v2  }
0x29: {  	v54 =	vld [tilespmem:$0x40];
	v5 =	vadd.s32 $0xFFFFFFFF, v52;
	v3 =	vand.u32 $0x1FFF, v3;
	[tilespmem:$0x90] =	vst v6  }
0x2a: {  	v55 =	vld [tilespmem:$0x30];
	v1 =	vadd.s32 $0xFFFFFFFF, v43;
	v60 =	vand.u32 $0x1FFF, v5;
	[tilespmem:$0x60] =	vst v3  }
0x2b: {  	v57 =	vld [tilespmem:$0x10];
	v4 =	vadd.s32 $0xFFFFFFFF, v48;
	v1 =	vand.u32 $0x1FFF, v1;
	[tilespmem:$0x50] =	vst v60  }
0x2c: {  	v58 =	vld [tilespmem:$0x0];
	v61 =	vadd.s32 $0xFFFFFFFF, v56;
	v4 =	vand.u32 $0x1FFF, v4;
	[tilespmem:$0xC0] =	vst v1  }
0x2d: {  	s8 =	ssub.s32 $0x2, s8;
	v0 =	vadd.s32 $0xFFFFFFFF, v49;
	v2 =	vand.u32 $0x1FFF, v61;
	[tilespmem:$0x80] =	vst v4  }
0x2e: {  	s16 =	simm.s32 $0x80;
	s9 =	sshrl.u32 s8, $0x1;
	v59 =	vadd.s32 $0xFFFFFFFF, v54;
	v0 =	vand.u32 $0x1FFF, v0;
	[tilespmem:$0x20] =	vst v2  }
0x2f: {  	s15 =	simm.s32 $0x200;
	s13 =	simm.s32 $0x4200;
	s8 =	ssub.s32 s8, s9;
	v1 =	vadd.s32 $0xFFFFFFFF, v55;
	[tilespmem:$0x70] =	vst v0;
	v0 =	vand.u32 $0x1FFF, v59  }
0x30: {  	s17 =	simm.s32 $0x100;
	s12 =	simm.s32 $0x8200;
	s19 =	smax.u32 s8, $0x1;
	v62 =	vadd.s32 $0xFFFFFFFF, v57;
	v1 =	vand.u32 $0x1FFF, v1;
	[tilespmem:$0x40] =	vst v0  }
0x31: {  	s18 =	simm.s32 $0x180;
	s7 =	sshll.u32 s7, $0xD;
	p0 =	sne.s32 s19, $0x1;
	v63 =	vadd.s32 $0xFFFFFFFF, v58;
	[tilespmem:$0x30] =	vst v1;
	v0 =	vand.u32 $0x1FFF, v62  }
.Ltmp0:
0x32: {  	s11 =	simm.s32 $0xC200;
	s9 =	sadd.s32 s6, s7;
	v1 =	vand.u32 $0x1FFF, v63;
	[tilespmem:$0x10] =	vst v0;
	(pc) =	sbr.rel @!p0 .LBB2_2-.Ltmp0, $4  }
0x33: {  	s14 =	simm.s32 $0x1;
	s10 =	sadd.s32 $0x800, s9;
	s7 =	sadd.s32 $0x1000, s9;
	[tilespmem:$0x0] =	vst v1  }
0x34: {  	[tilespmem:s15], [sflag:$0x1] =	stream.indirect.gather [hbm4b:s3+s16], $0x80, s2, s16, $0xb8;
	[tilespmem:$0x10200] =	vst v63  }
0x35: {  	s6 =	sadd.s32 $0x1800, s9;
	s8 =	simm.s32 $0x2;
	s19 =	sadd.s32 $0xFFFFFFFF, s19  }
0x36: {  	[tilespmem:s13], [sflag:$0x1] =	stream.indirect.gather [hbm4b:s3+s16], $0x80, s16, s16, $0xb8;
	[tilespmem:$0x10200] =	vst v63  }
.LBB2_1:
0x37: {  	p0 =	sne.s32 s19, $0x1;
	s19 =	sadd.s32 $0xFFFFFFFF, s19  }
0x38: {  	[tilespmem:s12], [sflag:$0x1] =	stream.indirect.gather [hbm4b:s3+s16], $0x80, s17, s16, $0xb8;
	[tilespmem:$0x10200] =	vst v63  }
0x39: {  	_ = 	snop  }
0x3a: {  	[tilespmem:s11], [sflag:$0x1] =	stream.indirect.gather [hbm4b:s3+s16], $0x80, s18, s16, $0xb8;
	[tilespmem:$0x10200] =	vst v63  }
0x3b: {  	_ =	swait.ge [sflag:s14], $0x4000  }
0x3c: {  	[sflag:s14] =	ssyncset.done $0x0  }
0x3d: {  	[sflag:s14] =	ssyncadd.s32 $0xFFFFC000  }
0x3e: {  	[hbm4b:s9+s2] =	stream.linear.scatter [tilespmem:s15], [sflag:$0x2], $0x4000, $0x38;
	[tilespmem:$0x10200] =	vst v63  }
0x3f: {  	_ =	swait.ge [sflag:s14], $0x4000  }
0x40: {  	[sflag:s14] =	ssyncset.done $0x0  }
0x41: {  	[sflag:s14] =	ssyncadd.s32 $0xFFFFC000  }
0x42: {  	[hbm4b:s10+s2] =	stream.linear.scatter [tilespmem:s13], [sflag:$0x2], $0x4000, $0x38;
	[tilespmem:$0x10200] =	vst v63  }
0x43: {  	_ =	swait.ge [sflag:s14], $0x4000  }
0x44: {  	[sflag:s14] =	ssyncset.done $0x0  }
0x45: {  	[sflag:s14] =	ssyncadd.s32 $0xFFFFC000  }
0x46: {  	[hbm4b:s7+s2] =	stream.linear.scatter [tilespmem:s12], [sflag:$0x2], $0x4000, $0x38;
	[tilespmem:$0x10200] =	vst v63  }
0x47: {  	_ =	swait.ge [sflag:s14], $0x4000  }
0x48: {  	[sflag:s14] =	ssyncset.done $0x0  }
0x49: {  	[sflag:s14] =	ssyncadd.s32 $0xFFFFC000  }
0x4a: {  	[hbm4b:s6+s2] =	stream.linear.scatter [tilespmem:s11], [sflag:$0x2], $0x4000, $0x38;
	[tilespmem:$0x10200] =	vst v63  }
0x4b: {  	_ =	swait.ge [sflag:s8], $0x4000  }
0x4c: {  	[sflag:s8] =	ssyncset.done $0x0  }
0x4d: {  	[sflag:s8] =	ssyncadd.s32 $0xFFFFC000  }
0x4e: {  	_ =	swait.ge [sflag:s8], $0x4000  }
0x4f: {  	[sflag:s8] =	ssyncset.done $0x0  }
0x50: {  	[sflag:s8] =	ssyncadd.s32 $0xFFFFC000  }
0x51: {  	_ =	swait.ge [sflag:s8], $0x4000  }
0x52: {  	[sflag:s8] =	ssyncset.done $0x0  }
0x53: {  	[sflag:s8] =	ssyncadd.s32 $0xFFFFC000  }
0x54: {  	_ =	swait.ge [sflag:s8], $0x4000  }
0x55: {  	[sflag:s8] =	ssyncset.done $0x0  }
0x56: {  	[sflag:s8] =	ssyncadd.s32 $0xFFFFC000  }
0x57: {  	[tilespmem:s2], [sflag:$0x3] =	stream.linear.gather [hbm4b:s4+s2], $0x200, $0x38;
	[tilespmem:$0x10200] =	vst v63  }
0x58: {  	_ =	swait.ge [sflag:s5], $0x200  }
0x59: {  	[sflag:s5] =	ssyncset.done $0x0  }
0x5a: {  	[sflag:s5] =	ssyncadd.s32 $0xFFFFFE00  }
0x5b: {  	v0 =	vld [tilespmem:$0x1F0]  }
0x5c: {  	v1 =	vld [tilespmem:$0xB0]  }
0x5d: {  	v2 =	vld [tilespmem:$0x1E0]  }
0x5e: {  	v3 =	vld [tilespmem:$0x1D0]  }
0x5f: {  	v4 =	vld [tilespmem:$0x1C0]  }
0x60: {  	v5 =	vld [tilespmem:$0x1A0];
	v0 =	vadd.s32 $0xFFFFFFFF, v0  }
0x61: {  	v1 =	vadd.s32 $0xFFFFFFFF, v1;
	v6 =	vld [tilespmem:$0x190];
	v0 =	vand.u32 $0x1FFF, v0  }
0x62: {  	v1 =	vand.u32 $0x1FFF, v1;
	v7 =	vld [tilespmem:$0x180];
	v2 =	vadd.s32 $0xFFFFFFFF, v2;
	[tilespmem:$0x1F0] =	vst v0  }
0x63: {  	[tilespmem:$0xB0] =	vst v1;
	v0 =	vld [tilespmem:$0x170];
	v1 =	vadd.s32 $0xFFFFFFFF, v3;
	v2 =	vand.u32 $0x1FFF, v2  }
0x64: {  	v3 =	vld [tilespmem:$0x160];
	v4 =	vadd.s32 $0xFFFFFFFF, v4;
	v1 =	vand.u32 $0x1FFF, v1;
	[tilespmem:$0x1E0] =	vst v2  }
0x65: {  	v2 =	vld [tilespmem:$0x150];
	v5 =	vadd.s32 $0xFFFFFFFF, v5;
	v4 =	vand.u32 $0x1FFF, v4;
	[tilespmem:$0x1D0] =	vst v1  }
0x66: {  	v1 =	vld [tilespmem:$0x140];
	v6 =	vadd.s32 $0xFFFFFFFF, v6;
	v5 =	vand.u32 $0x1FFF, v5;
	[tilespmem:$0x1C0] =	vst v4  }
0x67: {  	v4 =	vld [tilespmem:$0x130];
	v7 =	vadd.s32 $0xFFFFFFFF, v7;
	v6 =	vand.u32 $0x1FFF, v6;
	[tilespmem:$0x1A0] =	vst v5  }
0x68: {  	v5 =	vld [tilespmem:$0x120];
	v0 =	vadd.s32 $0xFFFFFFFF, v0;
	v7 =	vand.u32 $0x1FFF, v7;
	[tilespmem:$0x190] =	vst v6  }
0x69: {  	v6 =	vld [tilespmem:$0x110];
	v3 =	vadd.s32 $0xFFFFFFFF, v3;
	v0 =	vand.u32 $0x1FFF, v0;
	[tilespmem:$0x180] =	vst v7  }
0x6a: {  	v7 =	vld [tilespmem:$0x100];
	v2 =	vadd.s32 $0xFFFFFFFF, v2;
	v3 =	vand.u32 $0x1FFF, v3;
	[tilespmem:$0x170] =	vst v0  }
0x6b: {  	v0 =	vld [tilespmem:$0xF0];
	v1 =	vadd.s32 $0xFFFFFFFF, v1;
	v2 =	vand.u32 $0x1FFF, v2;
	[tilespmem:$0x160] =	vst v3  }
0x6c: {  	v3 =	vld [tilespmem:$0xE0];
	v4 =	vadd.s32 $0xFFFFFFFF, v4;
	v1 =	vand.u32 $0x1FFF, v1;
	[tilespmem:$0x150] =	vst v2  }
0x6d: {  	v2 =	vld [tilespmem:$0xD0];
	v5 =	vadd.s32 $0xFFFFFFFF, v5;
	v4 =	vand.u32 $0x1FFF, v4;
	[tilespmem:$0x140] =	vst v1  }
0x6e: {  	v1 =	vld [tilespmem:$0xC0];
	v6 =	vadd.s32 $0xFFFFFFFF, v6;
	v5 =	vand.u32 $0x1FFF, v5;
	[tilespmem:$0x130] =	vst v4  }
0x6f: {  	v4 =	vadd.s32 $0xFFFFFFFF, v7;
	v6 =	vand.u32 $0x1FFF, v6;
	[tilespmem:$0x120] =	vst v5;
	v5 =	vld [tilespmem:$0x1B0]  }
0x70: {  	v7 =	vld [tilespmem:$0xA0];
	v0 =	vadd.s32 $0xFFFFFFFF, v0;
	v4 =	vand.u32 $0x1FFF, v4;
	[tilespmem:$0x110] =	vst v6  }
0x71: {  	v6 =	vld [tilespmem:$0x90];
	v3 =	vadd.s32 $0xFFFFFFFF, v3;
	v0 =	vand.u32 $0x1FFF, v0;
	[tilespmem:$0x100] =	vst v4  }
0x72: {  	v4 =	vld [tilespmem:$0x80];
	v2 =	vadd.s32 $0xFFFFFFFF, v2;
	v3 =	vand.u32 $0x1FFF, v3;
	[tilespmem:$0xF0] =	vst v0  }
0x73: {  	v0 =	vld [tilespmem:$0x70];
	v1 =	vadd.s32 $0xFFFFFFFF, v1;
	v2 =	vand.u32 $0x1FFF, v2;
	[tilespmem:$0xE0] =	vst v3  }
0x74: {  	v3 =	vld [tilespmem:$0x60];
	v1 =	vand.u32 $0x1FFF, v1;
	[tilespmem:$0xD0] =	vst v2;
	v2 =	vadd.s32 $0xFFFFFFFF, v5  }
0x75: {  	v5 =	vld [tilespmem:$0x50];
	v7 =	vadd.s32 $0xFFFFFFFF, v7;
	[tilespmem:$0xC0] =	vst v1;
	v1 =	vand.u32 $0x1FFF, v2  }
0x76: {  	v2 =	vld [tilespmem:$0x40];
	v6 =	vadd.s32 $0xFFFFFFFF, v6;
	v7 =	vand.u32 $0x1FFF, v7;
	[tilespmem:$0x1B0] =	vst v1  }
0x77: {  	v1 =	vld [tilespmem:$0x30];
	v4 =	vadd.s32 $0xFFFFFFFF, v4;
	v6 =	vand.u32 $0x1FFF, v6;
	[tilespmem:$0xA0] =	vst v7  }
0x78: {  	v7 =	vld [tilespmem:$0x20];
	v0 =	vadd.s32 $0xFFFFFFFF, v0;
	v4 =	vand.u32 $0x1FFF, v4;
	[tilespmem:$0x90] =	vst v6  }
0x79: {  	v6 =	vld [tilespmem:$0x10];
	v3 =	vadd.s32 $0xFFFFFFFF, v3;
	v0 =	vand.u32 $0x1FFF, v0;
	[tilespmem:$0x80] =	vst v4  }
0x7a: {  	v4 =	vld [tilespmem:$0x0];
	v5 =	vadd.s32 $0xFFFFFFFF, v5;
	v3 =	vand.u32 $0x1FFF, v3;
	[tilespmem:$0x70] =	vst v0  }
0x7b: {  	v0 =	vadd.s32 $0xFFFFFFFF, v2;
	v2 =	vand.u32 $0x1FFF, v5;
	[tilespmem:$0x60] =	vst v3  }
0x7c: {  	v1 =	vadd.s32 $0xFFFFFFFF, v1;
	v0 =	vand.u32 $0x1FFF, v0;
	[tilespmem:$0x50] =	vst v2  }
0x7d: {  	v2 =	vadd.s32 $0xFFFFFFFF, v7;
	v1 =	vand.u32 $0x1FFF, v1;
	[tilespmem:$0x40] =	vst v0  }
0x7e: {  	v0 =	vadd.s32 $0xFFFFFFFF, v6;
	v2 =	vand.u32 $0x1FFF, v2;
	[tilespmem:$0x30] =	vst v1  }
0x7f: {  	v1 =	vadd.s32 $0xFFFFFFFF, v4;
	v0 =	vand.u32 $0x1FFF, v0;
	[tilespmem:$0x20] =	vst v2  }
.Ltmp1:
0x80: {  	v1 =	vand.u32 $0x1FFF, v1;
	[tilespmem:$0x10] =	vst v0;
	(pc) =	sbr.rel @p0 .LBB2_1-.Ltmp1, $4  }
0x81: {  	[tilespmem:$0x0] =	vst v1  }
0x82: {  	[tilespmem:s15], [sflag:$0x1] =	stream.indirect.gather [hbm4b:s3+s16], $0x80, s2, s16, $0xb8;
	[tilespmem:$0x10200] =	vst v63  }
0x83: {  	_ = 	snop  }
0x84: {  	[tilespmem:s13], [sflag:$0x1] =	stream.indirect.gather [hbm4b:s3+s16], $0x80, s16, s16, $0xb8;
	[tilespmem:$0x10200] =	vst v63  }
.LBB2_2:
0x85: {  	[tilespmem:s12], [sflag:$0x1] =	stream.indirect.gather [hbm4b:s3+s16], $0x80, s17, s16, $0xb8;
	[tilespmem:$0x10200] =	vst v63  }
0x86: {  	_ = 	snop  }
0x87: {  	[tilespmem:s11], [sflag:$0x1] =	stream.indirect.gather [hbm4b:s3+s16], $0x80, s18, s16, $0xb8;
	[tilespmem:$0x10200] =	vst v63  }
0x88: {  	_ =	swait.ge [sflag:s14], $0x4000  }
0x89: {  	[sflag:s14] =	ssyncset.done $0x0  }
0x8a: {  	[sflag:s14] =	ssyncadd.s32 $0xFFFFC000  }
0x8b: {  	[hbm4b:s9+s2] =	stream.linear.scatter [tilespmem:s15], [sflag:$0x2], $0x4000, $0x38;
	[tilespmem:$0x10200] =	vst v63  }
0x8c: {  	_ =	swait.ge [sflag:s14], $0x4000  }
0x8d: {  	[sflag:s14] =	ssyncset.done $0x0  }
0x8e: {  	[sflag:s14] =	ssyncadd.s32 $0xFFFFC000  }
0x8f: {  	[hbm4b:s10+s2] =	stream.linear.scatter [tilespmem:s13], [sflag:$0x2], $0x4000, $0x38;
	[tilespmem:$0x10200] =	vst v63  }
0x90: {  	_ =	swait.ge [sflag:s14], $0x4000  }
0x91: {  	[sflag:s14] =	ssyncset.done $0x0  }
0x92: {  	[sflag:s14] =	ssyncadd.s32 $0xFFFFC000  }
0x93: {  	[hbm4b:s7+s2] =	stream.linear.scatter [tilespmem:s12], [sflag:$0x2], $0x4000, $0x38;
	[tilespmem:$0x10200] =	vst v63  }
0x94: {  	_ =	swait.ge [sflag:s14], $0x4000  }
0x95: {  	[sflag:s14] =	ssyncset.done $0x0  }
0x96: {  	[sflag:s14] =	ssyncadd.s32 $0xFFFFC000  }
0x97: {  	[hbm4b:s6+s2] =	stream.linear.scatter [tilespmem:s11], [sflag:$0x2], $0x4000, $0x38;
	[tilespmem:$0x10200] =	vst v63  }
0x98: {  	_ =	swait.ge [sflag:s8], $0x4000  }
0x99: {  	[sflag:s8] =	ssyncset.done $0x0  }
0x9a: {  	[sflag:s8] =	ssyncadd.s32 $0xFFFFC000  }
0x9b: {  	_ =	swait.ge [sflag:s8], $0x4000  }
0x9c: {  	[sflag:s8] =	ssyncset.done $0x0  }
0x9d: {  	[sflag:s8] =	ssyncadd.s32 $0xFFFFC000  }
0x9e: {  	_ =	swait.ge [sflag:s8], $0x4000  }
0x9f: {  	[sflag:s8] =	ssyncset.done $0x0  }
0xa0: {  	[sflag:s8] =	ssyncadd.s32 $0xFFFFC000  }
0xa1: {  	_ =	swait.ge [sflag:s8], $0x4000  }
0xa2: {  	[sflag:s8] =	ssyncset.done $0x0  }
0xa3: {  	[sflag:s8] =	ssyncadd.s32 $0xFFFFC000  }
0xa4: {  	_ =	sfence.sel $0x180000  }
0xa5: {  	[bflag:$0x0] =	sbarrier.arrive $0xFFFF  }
0xa6: {  	p0 =	sne.s32 s0, $0x0;
	_ =	strace $0x90000047  }
0xa7: {  	s0 =	sadd.s32 @!p0 $0x100000, s1;
	[bflag:$0x2] =	sbarrier.arrive $0xFFFF  }
0xa8: {  	[sflag:s0] =	ssyncadd.tile.s32 @!p0 $0x1;
	_ =	shalt  }
.Lfunc_end2:
_tile_overlayer_lowered:
.L_overlay_start_2:
0xa9: {  	(tag) =	ssettag $0x2  }
0xaa: {  	s0 =	rddreg [dreg:$0x0];
	s2 =	stileid.u32  }
0xab: {  	s1 =	rddreg [dreg:$0x1];
	p0 =	sne.s32 s2, $0x0  }
0xac: {  	s3 =	rddreg [dreg:$0x2];
	[bflag:$0x3] =	sbarrier.arrive $0xFFFF;
	s2 =	simm.s32 @!p0 $0x1C03  }
0xad: {  	[timem:s3], [sflag:s2] =	dma.local @!p0 [hbm:s0], s1  }
0xae: {  	s0 =	simm.s32 @!p0 $0x3  }
0xaf: {  	_ =	swait.ge @!p0 [sflag:s0], s1  }
0xb0: {  	s1 =	ssub.s32 @!p0 $0x0, s1;
	[sflag:s0] =	ssyncset.done @!p0 $0x0  }
0xb1: {  	[sflag:s0] =	ssyncadd.s32 @!p0 s1  }
0xb2: {  	[bflag:$0x3] =	sbarrier.arrive $0xFFFF  }
0xb3: {  	_ =	shalt  }

</sc_bundles>
